<compile_context>
chip_gen: v7x
topology: tpu7x:2x2x1
jax: 0.10.2.dev20260603
libtpu: 0.0.44.dev20260713+nightly
codegen_flags: <defaults>
</compile_context>

<pallas_src>
import functools

import jax
import jax.numpy as jnp
from jax import lax
from jax.experimental import pallas as pl
from jax.experimental.pallas import tpu as pltpu
from jax.experimental.pallas import tpu_sc as plsc

D = 128
B = 320000
N_ROWS = 10000


@jax.jit
def _gather(x, idx):
    info = plsc.get_sparse_core_info()
    nw = info.num_cores * info.num_subcores
    b_per_w = B // nw
    chunk = 72
    n_full = b_per_w // chunk
    tail = b_per_w - n_full * chunk
    n_chunks = n_full + 1
    R = 5
    LAG = 3
    HBM_CHUNKS = 7
    n_quads = 28
    while 7 + R * n_quads - 1 + R >= n_full:
        n_quads -= 1
    loop_end = 7 + R * n_quads
    mesh = plsc.VectorSubcoreMesh(core_axis_name="c", subcore_axis_name="s")

    @functools.partial(
        pl.kernel,
        mesh=mesh,
        out_type=jax.ShapeDtypeStruct((B, D), jnp.float32),
        scratch_types=[
            pltpu.VMEM_SHARED((N_ROWS, D), jnp.float32),
            pltpu.VMEM((chunk,), jnp.int32),
            pltpu.VMEM((chunk,), jnp.int32),
            pltpu.VMEM((chunk,), jnp.int32),
            pltpu.VMEM((chunk,), jnp.int32),
            pltpu.VMEM((chunk,), jnp.int32),
            pltpu.VMEM((chunk, D), jnp.float32),
            pltpu.VMEM((chunk, D), jnp.float32),
            pltpu.VMEM((chunk, D), jnp.float32),
            pltpu.VMEM((chunk, D), jnp.float32),
            pltpu.VMEM((chunk, D), jnp.float32),
            pltpu.SemaphoreType.DMA,
            pltpu.SemaphoreType.DMA,
            pltpu.SemaphoreType.DMA,
            pltpu.SemaphoreType.DMA,
            pltpu.SemaphoreType.DMA,
            pltpu.SemaphoreType.DMA,
            pltpu.SemaphoreType.DMA,
            pltpu.SemaphoreType.DMA,
            pltpu.SemaphoreType.DMA,
            pltpu.SemaphoreType.DMA,
            pltpu.SemaphoreType.DMA,
            pltpu.SemaphoreType.DMA,
            pltpu.SemaphoreType.DMA,
            pltpu.SemaphoreType.DMA,
            pltpu.SemaphoreType.DMA,
            pltpu.SemaphoreType.DMA,
        ],
    )
    def k(x_hbm, idx_hbm, out_hbm, x_sp,
          i0, i1, i2, i3, i4, r0, r1, r2, r3, r4,
          gi0, gi1, gi2, gi3, gi4, g0, g1, g2, g3, g4,
          w0, w1, w2, w3, w4, ssem):
        sid = lax.axis_index("s")
        wid = sid * info.num_cores + lax.axis_index("c")
        base = wid * b_per_w
        idxs = (i0, i1, i2, i3, i4)
        rows = (r0, r1, r2, r3, r4)
        gis = (gi0, gi1, gi2, gi3, gi4)
        gs = (g0, g1, g2, g3, g4)
        ws = (w0, w1, w2, w3, w4)

        @pl.when(sid < 10)
        def _stage():
            r = sid * 1000
            pltpu.async_copy(
                x_hbm.at[pl.ds(r, 1000)], x_sp.at[pl.ds(r, 1000)], ssem)

        def sz(c):
            return chunk if c < n_full else tail

        def fire_idx(c, b, size):
            pltpu.async_copy(
                idx_hbm.at[pl.ds(base + c * chunk, size)],
                idxs[b].at[pl.ds(0, size)], gis[b])

        def wait_idx(c, b, size):
            pltpu.make_async_copy(
                idx_hbm.at[pl.ds(base + c * chunk, size)],
                idxs[b].at[pl.ds(0, size)], gis[b]).wait()

        def fire_gather(src_ref, c, b, size):
            wait_idx(c, b, size)
            pltpu.async_copy(
                src_ref.at[idxs[b].at[pl.ds(0, size)]],
                rows[b].at[pl.ds(0, size)], gs[b])

        def wait_gather(src_ref, c, b, size):
            pltpu.make_async_copy(
                src_ref.at[idxs[b].at[pl.ds(0, size)]],
                rows[b].at[pl.ds(0, size)], gs[b]).wait()

        def fire_wb(c, b, size):
            pltpu.async_copy(
                rows[b].at[pl.ds(0, size)],
                out_hbm.at[pl.ds(base + c * chunk, size)], ws[b])

        def wait_wb(c, b, size):
            pltpu.make_async_copy(
                rows[b].at[pl.ds(0, size)],
                out_hbm.at[pl.ds(base + c * chunk, size)], ws[b]).wait()

        def src_of(c):
            return x_hbm if c < HBM_CHUNKS else x_sp

        def static_step(s):
            wait_gather(src_of(s), s, s % R, sz(s))
            if s + R < n_chunks:
                fire_idx(s + R, (s + R) % R, sz(s + R))
            fire_wb(s, s % R, sz(s))
            if s >= LAG:
                wait_wb(s - LAG, (s - LAG) % R, sz(s - LAG))
            if s + 2 < n_chunks:
                fire_gather(src_of(s + 2), s + 2, (s + 2) % R, sz(s + 2))

        for c in range(R):
            fire_idx(c, c, chunk)
        for c in range(2):
            fire_gather(x_hbm, c, c, chunk)

        for s in range(5):
            static_step(s)

        @pl.when(sid < 10)
        def _stage_done():
            r = sid * 1000
            pltpu.make_async_copy(
                x_hbm.at[pl.ds(r, 1000)], x_sp.at[pl.ds(r, 1000)], ssem).wait()

        plsc.subcore_barrier()

        for s in range(5, 7):
            static_step(s)

        def quad(p, _):
            s = R * p + 7
            for q in range(R):
                sq = s + q
                bq = (7 + q) % R
                wait_gather(x_sp, sq, bq, chunk)
                fire_idx(sq + R, bq, chunk)
                fire_wb(sq, bq, chunk)
                wait_wb(sq - LAG, (7 + q - LAG) % R, chunk)
                fire_gather(x_sp, sq + 2, (7 + q + 2) % R, chunk)
            return ()

        lax.fori_loop(0, n_quads, quad, ())

        for s in range(loop_end, n_chunks):
            static_step(s)
        for c in range(n_chunks - LAG, n_chunks):
            wait_wb(c, c % R, sz(c))

    return k(x, idx)


def kernel(x, neighbor_indices):
    return _gather(x, neighbor_indices.astype(jnp.int32))

# --- scband reference (transcript-rebuilt; emitter-appended) ---
"""Pipeline reference for scband-collect-edge-features-25537875542602 (READ-ONLY COPY).

The authoritative reference and input builder live on the scoring server;
editing this copy changes nothing except your own understanding.
"""

import jax, jax.numpy as jnp
import numpy as np


def setup_inputs(seed: int = 0) -> dict:
    key = jax.random.key(seed)
    k1, k2 = jax.random.split(key)
    x = jax.random.normal(k1, (10000, 128), dtype=jnp.float32)
    neighbor_indices = jax.random.randint(k2, (320000,), 0, 10000, dtype=jnp.int64)
    return {"x": x, "neighbor_indices": neighbor_indices}


def reference(x, neighbor_indices):
    # collect_edge_features: x[neighbor_indices, :]
    return jnp.take(x, neighbor_indices, axis=0)

if __name__ == "__main__":
    import jax
    _d = setup_inputs()
    print(jax.jit(kernel)(*tuple(_d.values())))

</pallas_src>

<mosaic_0001>
#map = affine_map<(d0, d1) -> (0, 0)>
#map1 = affine_map<(d0, d1) -> (0)>
module attributes {stable_mosaic.version = 14 : i64} {
  func.func @k(%arg0: i32, %arg1: i32, %arg2: memref<10000x128xf32, #tpu.memory_space<hbm>>, %arg3: memref<320000xi32, #tpu.memory_space<hbm>>, %arg4: memref<320000x128xf32, #tpu.memory_space<hbm>>, %arg5: memref<10000x128xf32, #tpu.memory_space<vmem_shared>>, %arg6: memref<72xi32, #tpu.memory_space<vmem>>, %arg7: memref<72xi32, #tpu.memory_space<vmem>>, %arg8: memref<72xi32, #tpu.memory_space<vmem>>, %arg9: memref<72xi32, #tpu.memory_space<vmem>>, %arg10: memref<72xi32, #tpu.memory_space<vmem>>, %arg11: memref<72x128xf32, #tpu.memory_space<vmem>>, %arg12: memref<72x128xf32, #tpu.memory_space<vmem>>, %arg13: memref<72x128xf32, #tpu.memory_space<vmem>>, %arg14: memref<72x128xf32, #tpu.memory_space<vmem>>, %arg15: memref<72x128xf32, #tpu.memory_space<vmem>>, %arg16: memref<!tpu.dma_semaphore, #tpu.memory_space<semaphore_mem>>, %arg17: memref<!tpu.dma_semaphore, #tpu.memory_space<semaphore_mem>>, %arg18: memref<!tpu.dma_semaphore, #tpu.memory_space<semaphore_mem>>, %arg19: memref<!tpu.dma_semaphore, #tpu.memory_space<semaphore_mem>>, %arg20: memref<!tpu.dma_semaphore, #tpu.memory_space<semaphore_mem>>, %arg21: memref<!tpu.dma_semaphore, #tpu.memory_space<semaphore_mem>>, %arg22: memref<!tpu.dma_semaphore, #tpu.memory_space<semaphore_mem>>, %arg23: memref<!tpu.dma_semaphore, #tpu.memory_space<semaphore_mem>>, %arg24: memref<!tpu.dma_semaphore, #tpu.memory_space<semaphore_mem>>, %arg25: memref<!tpu.dma_semaphore, #tpu.memory_space<semaphore_mem>>, %arg26: memref<!tpu.dma_semaphore, #tpu.memory_space<semaphore_mem>>, %arg27: memref<!tpu.dma_semaphore, #tpu.memory_space<semaphore_mem>>, %arg28: memref<!tpu.dma_semaphore, #tpu.memory_space<semaphore_mem>>, %arg29: memref<!tpu.dma_semaphore, #tpu.memory_space<semaphore_mem>>, %arg30: memref<!tpu.dma_semaphore, #tpu.memory_space<semaphore_mem>>, %arg31: memref<!tpu.dma_semaphore, #tpu.memory_space<semaphore_mem>>) attributes {dimension_semantics = [#tpu.dimension_semantics<core_parallel>, #tpu.dimension_semantics<subcore_parallel>], iteration_bounds = array<i64: 2, 16>, scalar_prefetch = 0 : i64, scratch_operands = 27 : i64, tpu.core_type = #tpu.core_type<sc_vector_subcore>, window_params = [{transform_indices = #map}, {transform_indices = #map1}, {transform_indices = #map}]} {
    %mul3A = arith.constant 2 : i32
    %mul3A_0 = arith.muli %arg1, %mul3A : i32
    %add3A = arith.addi %mul3A_0, %arg0 : i32
    %mul3A_1 = arith.constant 10000 : i32
    %mul3A_2 = arith.muli %add3A, %mul3A_1 : i32
    %lt3A = arith.constant 10 : i32
    %lt3A_3 = arith.cmpi slt, %arg1, %lt3A : i32
    %convert_element_type3A = arith.extui %lt3A_3 : i1 to i32
    %cond3A = arith.constant 0 : i32
    %cond3A_4 = arith.cmpi ne, %convert_element_type3A, %cond3A : i32
    scf.if %cond3A_4 {
      %mul3A_796 = arith.constant 1000 : i32
      %mul3A_797 = arith.muli %arg1, %mul3A_796 : i32
      %dma_start3A_798 = arith.constant 0 : i32
      %dma_start3A_799 = tpu.memref_slice %arg5[%mul3A_797, %dma_start3A_798] : memref<10000x128xf32, #tpu.memory_space<vmem_shared>> -> memref<1000x128xf32, #tpu.memory_space<vmem_shared>>
      %dma_start3A_800 = arith.constant 0 : i32
      %dma_start3A_801 = tpu.memref_slice %arg2[%mul3A_797, %dma_start3A_800] : memref<10000x128xf32, #tpu.memory_space<hbm>> -> memref<1000x128xf32, #tpu.memory_space<hbm>>
      tpu.enqueue_dma source(%dma_start3A_801 : memref<1000x128xf32, #tpu.memory_space<hbm>>) target(%dma_start3A_799 : memref<1000x128xf32, #tpu.memory_space<vmem_shared>>) target_semaphore(%arg31 : memref<!tpu.dma_semaphore, #tpu.memory_space<semaphore_mem>>)
    } else {
    }
    %add3A_5 = arith.constant 0 : i32
    %add3A_6 = arith.addi %mul3A_2, %add3A_5 : i32
    %dma_start3A = arith.constant 0 : i32
    %dma_start3A_7 = tpu.memref_slice %arg6[%dma_start3A] : memref<72xi32, #tpu.memory_space<vmem>> -> memref<72xi32, #tpu.memory_space<vmem>>
    %dma_start3A_8 = tpu.memref_slice %arg3[%add3A_6] : memref<320000xi32, #tpu.memory_space<hbm>> -> memref<72xi32, #tpu.memory_space<hbm>>
    %dma_start3A_9 = arith.constant 0 : i32
    %dma_start3A_10 = tpu.memref_slice %arg6[%dma_start3A_9] : memref<72xi32, #tpu.memory_space<vmem>> -> memref<72xi32, #tpu.memory_space<vmem>>
    %dma_start3A_11 = tpu.memref_slice %arg3[%add3A_6] : memref<320000xi32, #tpu.memory_space<hbm>> -> memref<72xi32, #tpu.memory_space<hbm>>
    tpu.enqueue_dma source(%dma_start3A_11 : memref<72xi32, #tpu.memory_space<hbm>>) target(%dma_start3A_10 : memref<72xi32, #tpu.memory_space<vmem>>) target_semaphore(%arg16 : memref<!tpu.dma_semaphore, #tpu.memory_space<semaphore_mem>>)
    %add3A_12 = arith.constant 72 : i32
    %add3A_13 = arith.addi %mul3A_2, %add3A_12 : i32
    %dma_start3A_14 = arith.constant 0 : i32
    %dma_start3A_15 = tpu.memref_slice %arg7[%dma_start3A_14] : memref<72xi32, #tpu.memory_space<vmem>> -> memref<72xi32, #tpu.memory_space<vmem>>
    %dma_start3A_16 = tpu.memref_slice %arg3[%add3A_13] : memref<320000xi32, #tpu.memory_space<hbm>> -> memref<72xi32, #tpu.memory_space<hbm>>
    %dma_start3A_17 = arith.constant 0 : i32
    %dma_start3A_18 = tpu.memref_slice %arg7[%dma_start3A_17] : memref<72xi32, #tpu.memory_space<vmem>> -> memref<72xi32, #tpu.memory_space<vmem>>
    %dma_start3A_19 = tpu.memref_slice %arg3[%add3A_13] : memref<320000xi32, #tpu.memory_space<hbm>> -> memref<72xi32, #tpu.memory_space<hbm>>
    tpu.enqueue_dma source(%dma_start3A_19 : memref<72xi32, #tpu.memory_space<hbm>>) target(%dma_start3A_18 : memref<72xi32, #tpu.memory_space<vmem>>) target_semaphore(%arg17 : memref<!tpu.dma_semaphore, #tpu.memory_space<semaphore_mem>>)
    %add3A_20 = arith.constant 144 : i32
    %add3A_21 = arith.addi %mul3A_2, %add3A_20 : i32
    %dma_start3A_22 = arith.constant 0 : i32
    %dma_start3A_23 = tpu.memref_slice %arg8[%dma_start3A_22] : memref<72xi32, #tpu.memory_space<vmem>> -> memref<72xi32, #tpu.memory_space<vmem>>
    %dma_start3A_24 = tpu.memref_slice %arg3[%add3A_21] : memref<320000xi32, #tpu.memory_space<hbm>> -> memref<72xi32, #tpu.memory_space<hbm>>
    %dma_start3A_25 = arith.constant 0 : i32
    %dma_start3A_26 = tpu.memref_slice %arg8[%dma_start3A_25] : memref<72xi32, #tpu.memory_space<vmem>> -> memref<72xi32, #tpu.memory_space<vmem>>
    %dma_start3A_27 = tpu.memref_slice %arg3[%add3A_21] : memref<320000xi32, #tpu.memory_space<hbm>> -> memref<72xi32, #tpu.memory_space<hbm>>
    tpu.enqueue_dma source(%dma_start3A_27 : memref<72xi32, #tpu.memory_space<hbm>>) target(%dma_start3A_26 : memref<72xi32, #tpu.memory_space<vmem>>) target_semaphore(%arg18 : memref<!tpu.dma_semaphore, #tpu.memory_space<semaphore_mem>>)
    %add3A_28 = arith.constant 216 : i32
    %add3A_29 = arith.addi %mul3A_2, %add3A_28 : i32
    %dma_start3A_30 = arith.constant 0 : i32
    %dma_start3A_31 = tpu.memref_slice %arg9[%dma_start3A_30] : memref<72xi32, #tpu.memory_space<vmem>> -> memref<72xi32, #tpu.memory_space<vmem>>
    %dma_start3A_32 = tpu.memref_slice %arg3[%add3A_29] : memref<320000xi32, #tpu.memory_space<hbm>> -> memref<72xi32, #tpu.memory_space<hbm>>
    %dma_start3A_33 = arith.constant 0 : i32
    %dma_start3A_34 = tpu.memref_slice %arg9[%dma_start3A_33] : memref<72xi32, #tpu.memory_space<vmem>> -> memref<72xi32, #tpu.memory_space<vmem>>
    %dma_start3A_35 = tpu.memref_slice %arg3[%add3A_29] : memref<320000xi32, #tpu.memory_space<hbm>> -> memref<72xi32, #tpu.memory_space<hbm>>
    tpu.enqueue_dma source(%dma_start3A_35 : memref<72xi32, #tpu.memory_space<hbm>>) target(%dma_start3A_34 : memref<72xi32, #tpu.memory_space<vmem>>) target_semaphore(%arg19 : memref<!tpu.dma_semaphore, #tpu.memory_space<semaphore_mem>>)
    %add3A_36 = arith.constant 288 : i32
    %add3A_37 = arith.addi %mul3A_2, %add3A_36 : i32
    %dma_start3A_38 = arith.constant 0 : i32
    %dma_start3A_39 = tpu.memref_slice %arg10[%dma_start3A_38] : memref<72xi32, #tpu.memory_space<vmem>> -> memref<72xi32, #tpu.memory_space<vmem>>
    %dma_start3A_40 = tpu.memref_slice %arg3[%add3A_37] : memref<320000xi32, #tpu.memory_space<hbm>> -> memref<72xi32, #tpu.memory_space<hbm>>
    %dma_start3A_41 = arith.constant 0 : i32
    %dma_start3A_42 = tpu.memref_slice %arg10[%dma_start3A_41] : memref<72xi32, #tpu.memory_space<vmem>> -> memref<72xi32, #tpu.memory_space<vmem>>
    %dma_start3A_43 = tpu.memref_slice %arg3[%add3A_37] : memref<320000xi32, #tpu.memory_space<hbm>> -> memref<72xi32, #tpu.memory_space<hbm>>
    tpu.enqueue_dma source(%dma_start3A_43 : memref<72xi32, #tpu.memory_space<hbm>>) target(%dma_start3A_42 : memref<72xi32, #tpu.memory_space<vmem>>) target_semaphore(%arg20 : memref<!tpu.dma_semaphore, #tpu.memory_space<semaphore_mem>>)
    %add3A_44 = arith.constant 0 : i32
    %add3A_45 = arith.addi %mul3A_2, %add3A_44 : i32
    %dma_wait3A = arith.constant 0 : i32
    %dma_wait3A_46 = tpu.memref_slice %arg6[%dma_wait3A] : memref<72xi32, #tpu.memory_space<vmem>> -> memref<72xi32, #tpu.memory_space<vmem>>
    %dma_wait3A_47 = tpu.memref_slice %arg3[%add3A_45] : memref<320000xi32, #tpu.memory_space<hbm>> -> memref<72xi32, #tpu.memory_space<hbm>>
    %dma_wait3A_48 = arith.constant 0 : i32
    %dma_wait3A_49 = tpu.memref_slice %arg6[%dma_wait3A_48] : memref<72xi32, #tpu.memory_space<vmem>> -> memref<72xi32, #tpu.memory_space<vmem>>
    %dma_wait3A_50 = tpu.memref_slice %arg3[%add3A_45] : memref<320000xi32, #tpu.memory_space<hbm>> -> memref<72xi32, #tpu.memory_space<hbm>>
    tpu.wait_dma2 semaphore(%arg16 : memref<!tpu.dma_semaphore, #tpu.memory_space<semaphore_mem>>) src(%dma_wait3A_50 : memref<72xi32, #tpu.memory_space<hbm>>) dst(%dma_wait3A_49 : memref<72xi32, #tpu.memory_space<vmem>>)
    %dma_start3A_51 = arith.constant 0 : i32
    %dma_start3A_52 = arith.constant 0 : i32
    %dma_start3A_53 = tpu.memref_slice %arg11[%dma_start3A_51, %dma_start3A_52] : memref<72x128xf32, #tpu.memory_space<vmem>> -> memref<72x128xf32, #tpu.memory_space<vmem>>
    %dma_start3A_54 = arith.constant 0 : i32
    %dma_start3A_55 = tpu.memref_slice %arg6[%dma_start3A_54] : memref<72xi32, #tpu.memory_space<vmem>> -> memref<72xi32, #tpu.memory_space<vmem>>
    %dma_start3A_56 = arith.constant 0 : i32
    %dma_start3A_57 = arith.constant 0 : i32
    %dma_start3A_58 = tpu.memref_slice %arg2[%dma_start3A_56, %dma_start3A_57] : memref<10000x128xf32, #tpu.memory_space<hbm>> -> memref<10000x128xf32, #tpu.memory_space<hbm>>
    tpu.enqueue_indirect_dma source(%dma_start3A_58 : memref<10000x128xf32, #tpu.memory_space<hbm>>) target(%dma_start3A_53 : memref<72x128xf32, #tpu.memory_space<vmem>>) offsets(%dma_start3A_55 : memref<72xi32, #tpu.memory_space<vmem>>) semaphore(%arg21 : memref<!tpu.dma_semaphore, #tpu.memory_space<semaphore_mem>>)
    %add3A_59 = arith.constant 72 : i32
    %add3A_60 = arith.addi %mul3A_2, %add3A_59 : i32
    %dma_wait3A_61 = arith.constant 0 : i32
    %dma_wait3A_62 = tpu.memref_slice %arg7[%dma_wait3A_61] : memref<72xi32, #tpu.memory_space<vmem>> -> memref<72xi32, #tpu.memory_space<vmem>>
    %dma_wait3A_63 = tpu.memref_slice %arg3[%add3A_60] : memref<320000xi32, #tpu.memory_space<hbm>> -> memref<72xi32, #tpu.memory_space<hbm>>
    %dma_wait3A_64 = arith.constant 0 : i32
    %dma_wait3A_65 = tpu.memref_slice %arg7[%dma_wait3A_64] : memref<72xi32, #tpu.memory_space<vmem>> -> memref<72xi32, #tpu.memory_space<vmem>>
    %dma_wait3A_66 = tpu.memref_slice %arg3[%add3A_60] : memref<320000xi32, #tpu.memory_space<hbm>> -> memref<72xi32, #tpu.memory_space<hbm>>
    tpu.wait_dma2 semaphore(%arg17 : memref<!tpu.dma_semaphore, #tpu.memory_space<semaphore_mem>>) src(%dma_wait3A_66 : memref<72xi32, #tpu.memory_space<hbm>>) dst(%dma_wait3A_65 : memref<72xi32, #tpu.memory_space<vmem>>)
    %dma_start3A_67 = arith.constant 0 : i32
    %dma_start3A_68 = arith.constant 0 : i32
    %dma_start3A_69 = tpu.memref_slice %arg12[%dma_start3A_67, %dma_start3A_68] : memref<72x128xf32, #tpu.memory_space<vmem>> -> memref<72x128xf32, #tpu.memory_space<vmem>>
    %dma_start3A_70 = arith.constant 0 : i32
    %dma_start3A_71 = tpu.memref_slice %arg7[%dma_start3A_70] : memref<72xi32, #tpu.memory_space<vmem>> -> memref<72xi32, #tpu.memory_space<vmem>>
    %dma_start3A_72 = arith.constant 0 : i32
    %dma_start3A_73 = arith.constant 0 : i32
    %dma_start3A_74 = tpu.memref_slice %arg2[%dma_start3A_72, %dma_start3A_73] : memref<10000x128xf32, #tpu.memory_space<hbm>> -> memref<10000x128xf32, #tpu.memory_space<hbm>>
    tpu.enqueue_indirect_dma source(%dma_start3A_74 : memref<10000x128xf32, #tpu.memory_space<hbm>>) target(%dma_start3A_69 : memref<72x128xf32, #tpu.memory_space<vmem>>) offsets(%dma_start3A_71 : memref<72xi32, #tpu.memory_space<vmem>>) semaphore(%arg22 : memref<!tpu.dma_semaphore, #tpu.memory_space<semaphore_mem>>)
    %dma_wait3A_75 = arith.constant 0 : i32
    %dma_wait3A_76 = arith.constant 0 : i32
    %dma_wait3A_77 = tpu.memref_slice %arg11[%dma_wait3A_75, %dma_wait3A_76] : memref<72x128xf32, #tpu.memory_space<vmem>> -> memref<72x128xf32, #tpu.memory_space<vmem>>
    %dma_wait3A_78 = arith.constant 0 : i32
    %dma_wait3A_79 = tpu.memref_slice %arg6[%dma_wait3A_78] : memref<72xi32, #tpu.memory_space<vmem>> -> memref<72xi32, #tpu.memory_space<vmem>>
    %dma_wait3A_80 = arith.constant 0 : i32
    %dma_wait3A_81 = arith.constant 0 : i32
    %dma_wait3A_82 = tpu.memref_slice %arg2[%dma_wait3A_80, %dma_wait3A_81] : memref<10000x128xf32, #tpu.memory_space<hbm>> -> memref<10000x128xf32, #tpu.memory_space<hbm>>
    tpu.wait_indirect_dma semaphore(%arg21 : memref<!tpu.dma_semaphore, #tpu.memory_space<semaphore_mem>>) src(%dma_wait3A_82 : memref<10000x128xf32, #tpu.memory_space<hbm>>) dst(%dma_wait3A_77 : memref<72x128xf32, #tpu.memory_space<vmem>>)
    %add3A_83 = arith.constant 360 : i32
    %add3A_84 = arith.addi %mul3A_2, %add3A_83 : i32
    %dma_start3A_85 = arith.constant 0 : i32
    %dma_start3A_86 = tpu.memref_slice %arg6[%dma_start3A_85] : memref<72xi32, #tpu.memory_space<vmem>> -> memref<72xi32, #tpu.memory_space<vmem>>
    %dma_start3A_87 = tpu.memref_slice %arg3[%add3A_84] : memref<320000xi32, #tpu.memory_space<hbm>> -> memref<72xi32, #tpu.memory_space<hbm>>
    %dma_start3A_88 = arith.constant 0 : i32
    %dma_start3A_89 = tpu.memref_slice %arg6[%dma_start3A_88] : memref<72xi32, #tpu.memory_space<vmem>> -> memref<72xi32, #tpu.memory_space<vmem>>
    %dma_start3A_90 = tpu.memref_slice %arg3[%add3A_84] : memref<320000xi32, #tpu.memory_space<hbm>> -> memref<72xi32, #tpu.memory_space<hbm>>
    tpu.enqueue_dma source(%dma_start3A_90 : memref<72xi32, #tpu.memory_space<hbm>>) target(%dma_start3A_89 : memref<72xi32, #tpu.memory_space<vmem>>) target_semaphore(%arg16 : memref<!tpu.dma_semaphore, #tpu.memory_space<semaphore_mem>>)
    %add3A_91 = arith.constant 0 : i32
    %add3A_92 = arith.addi %mul3A_2, %add3A_91 : i32
    %dma_start3A_93 = arith.constant 0 : i32
    %dma_start3A_94 = arith.constant 0 : i32
    %dma_start3A_95 = tpu.memref_slice %arg11[%dma_start3A_93, %dma_start3A_94] : memref<72x128xf32, #tpu.memory_space<vmem>> -> memref<72x128xf32, #tpu.memory_space<vmem>>
    %dma_start3A_96 = arith.constant 0 : i32
    %dma_start3A_97 = tpu.memref_slice %arg4[%add3A_92, %dma_start3A_96] : memref<320000x128xf32, #tpu.memory_space<hbm>> -> memref<72x128xf32, #tpu.memory_space<hbm>>
    %dma_start3A_98 = arith.constant 0 : i32
    %dma_start3A_99 = tpu.memref_slice %arg4[%add3A_92, %dma_start3A_98] : memref<320000x128xf32, #tpu.memory_space<hbm>> -> memref<72x128xf32, #tpu.memory_space<hbm>>
    %dma_start3A_100 = arith.constant 0 : i32
    %dma_start3A_101 = arith.constant 0 : i32
    %dma_start3A_102 = tpu.memref_slice %arg11[%dma_start3A_100, %dma_start3A_101] : memref<72x128xf32, #tpu.memory_space<vmem>> -> memref<72x128xf32, #tpu.memory_space<vmem>>
    tpu.enqueue_dma source(%dma_start3A_102 : memref<72x128xf32, #tpu.memory_space<vmem>>) target(%dma_start3A_99 : memref<72x128xf32, #tpu.memory_space<hbm>>) target_semaphore(%arg26 : memref<!tpu.dma_semaphore, #tpu.memory_space<semaphore_mem>>)
    %add3A_103 = arith.constant 144 : i32
    %add3A_104 = arith.addi %mul3A_2, %add3A_103 : i32
    %dma_wait3A_105 = arith.constant 0 : i32
    %dma_wait3A_106 = tpu.memref_slice %arg8[%dma_wait3A_105] : memref<72xi32, #tpu.memory_space<vmem>> -> memref<72xi32, #tpu.memory_space<vmem>>
    %dma_wait3A_107 = tpu.memref_slice %arg3[%add3A_104] : memref<320000xi32, #tpu.memory_space<hbm>> -> memref<72xi32, #tpu.memory_space<hbm>>
    %dma_wait3A_108 = arith.constant 0 : i32
    %dma_wait3A_109 = tpu.memref_slice %arg8[%dma_wait3A_108] : memref<72xi32, #tpu.memory_space<vmem>> -> memref<72xi32, #tpu.memory_space<vmem>>
    %dma_wait3A_110 = tpu.memref_slice %arg3[%add3A_104] : memref<320000xi32, #tpu.memory_space<hbm>> -> memref<72xi32, #tpu.memory_space<hbm>>
    tpu.wait_dma2 semaphore(%arg18 : memref<!tpu.dma_semaphore, #tpu.memory_space<semaphore_mem>>) src(%dma_wait3A_110 : memref<72xi32, #tpu.memory_space<hbm>>) dst(%dma_wait3A_109 : memref<72xi32, #tpu.memory_space<vmem>>)
    %dma_start3A_111 = arith.constant 0 : i32
    %dma_start3A_112 = arith.constant 0 : i32
    %dma_start3A_113 = tpu.memref_slice %arg13[%dma_start3A_111, %dma_start3A_112] : memref<72x128xf32, #tpu.memory_space<vmem>> -> memref<72x128xf32, #tpu.memory_space<vmem>>
    %dma_start3A_114 = arith.constant 0 : i32
    %dma_start3A_115 = tpu.memref_slice %arg8[%dma_start3A_114] : memref<72xi32, #tpu.memory_space<vmem>> -> memref<72xi32, #tpu.memory_space<vmem>>
    %dma_start3A_116 = arith.constant 0 : i32
    %dma_start3A_117 = arith.constant 0 : i32
    %dma_start3A_118 = tpu.memref_slice %arg2[%dma_start3A_116, %dma_start3A_117] : memref<10000x128xf32, #tpu.memory_space<hbm>> -> memref<10000x128xf32, #tpu.memory_space<hbm>>
    tpu.enqueue_indirect_dma source(%dma_start3A_118 : memref<10000x128xf32, #tpu.memory_space<hbm>>) target(%dma_start3A_113 : memref<72x128xf32, #tpu.memory_space<vmem>>) offsets(%dma_start3A_115 : memref<72xi32, #tpu.memory_space<vmem>>) semaphore(%arg23 : memref<!tpu.dma_semaphore, #tpu.memory_space<semaphore_mem>>)
    %dma_wait3A_119 = arith.constant 0 : i32
    %dma_wait3A_120 = arith.constant 0 : i32
    %dma_wait3A_121 = tpu.memref_slice %arg12[%dma_wait3A_119, %dma_wait3A_120] : memref<72x128xf32, #tpu.memory_space<vmem>> -> memref<72x128xf32, #tpu.memory_space<vmem>>
    %dma_wait3A_122 = arith.constant 0 : i32
    %dma_wait3A_123 = tpu.memref_slice %arg7[%dma_wait3A_122] : memref<72xi32, #tpu.memory_space<vmem>> -> memref<72xi32, #tpu.memory_space<vmem>>
    %dma_wait3A_124 = arith.constant 0 : i32
    %dma_wait3A_125 = arith.constant 0 : i32
    %dma_wait3A_126 = tpu.memref_slice %arg2[%dma_wait3A_124, %dma_wait3A_125] : memref<10000x128xf32, #tpu.memory_space<hbm>> -> memref<10000x128xf32, #tpu.memory_space<hbm>>
    tpu.wait_indirect_dma semaphore(%arg22 : memref<!tpu.dma_semaphore, #tpu.memory_space<semaphore_mem>>) src(%dma_wait3A_126 : memref<10000x128xf32, #tpu.memory_space<hbm>>) dst(%dma_wait3A_121 : memref<72x128xf32, #tpu.memory_space<vmem>>)
    %add3A_127 = arith.constant 432 : i32
    %add3A_128 = arith.addi %mul3A_2, %add3A_127 : i32
    %dma_start3A_129 = arith.constant 0 : i32
    %dma_start3A_130 = tpu.memref_slice %arg7[%dma_start3A_129] : memref<72xi32, #tpu.memory_space<vmem>> -> memref<72xi32, #tpu.memory_space<vmem>>
    %dma_start3A_131 = tpu.memref_slice %arg3[%add3A_128] : memref<320000xi32, #tpu.memory_space<hbm>> -> memref<72xi32, #tpu.memory_space<hbm>>
    %dma_start3A_132 = arith.constant 0 : i32
    %dma_start3A_133 = tpu.memref_slice %arg7[%dma_start3A_132] : memref<72xi32, #tpu.memory_space<vmem>> -> memref<72xi32, #tpu.memory_space<vmem>>
    %dma_start3A_134 = tpu.memref_slice %arg3[%add3A_128] : memref<320000xi32, #tpu.memory_space<hbm>> -> memref<72xi32, #tpu.memory_space<hbm>>
    tpu.enqueue_dma source(%dma_start3A_134 : memref<72xi32, #tpu.memory_space<hbm>>) target(%dma_start3A_133 : memref<72xi32, #tpu.memory_space<vmem>>) target_semaphore(%arg17 : memref<!tpu.dma_semaphore, #tpu.memory_space<semaphore_mem>>)
    %add3A_135 = arith.constant 72 : i32
    %add3A_136 = arith.addi %mul3A_2, %add3A_135 : i32
    %dma_start3A_137 = arith.constant 0 : i32
    %dma_start3A_138 = arith.constant 0 : i32
    %dma_start3A_139 = tpu.memref_slice %arg12[%dma_start3A_137, %dma_start3A_138] : memref<72x128xf32, #tpu.memory_space<vmem>> -> memref<72x128xf32, #tpu.memory_space<vmem>>
    %dma_start3A_140 = arith.constant 0 : i32
    %dma_start3A_141 = tpu.memref_slice %arg4[%add3A_136, %dma_start3A_140] : memref<320000x128xf32, #tpu.memory_space<hbm>> -> memref<72x128xf32, #tpu.memory_space<hbm>>
    %dma_start3A_142 = arith.constant 0 : i32
    %dma_start3A_143 = tpu.memref_slice %arg4[%add3A_136, %dma_start3A_142] : memref<320000x128xf32, #tpu.memory_space<hbm>> -> memref<72x128xf32, #tpu.memory_space<hbm>>
    %dma_start3A_144 = arith.constant 0 : i32
    %dma_start3A_145 = arith.constant 0 : i32
    %dma_start3A_146 = tpu.memref_slice %arg12[%dma_start3A_144, %dma_start3A_145] : memref<72x128xf32, #tpu.memory_space<vmem>> -> memref<72x128xf32, #tpu.memory_space<vmem>>
    tpu.enqueue_dma source(%dma_start3A_146 : memref<72x128xf32, #tpu.memory_space<vmem>>) target(%dma_start3A_143 : memref<72x128xf32, #tpu.memory_space<hbm>>) target_semaphore(%arg27 : memref<!tpu.dma_semaphore, #tpu.memory_space<semaphore_mem>>)
    %add3A_147 = arith.constant 216 : i32
    %add3A_148 = arith.addi %mul3A_2, %add3A_147 : i32
    %dma_wait3A_149 = arith.constant 0 : i32
    %dma_wait3A_150 = tpu.memref_slice %arg9[%dma_wait3A_149] : memref<72xi32, #tpu.memory_space<vmem>> -> memref<72xi32, #tpu.memory_space<vmem>>
    %dma_wait3A_151 = tpu.memref_slice %arg3[%add3A_148] : memref<320000xi32, #tpu.memory_space<hbm>> -> memref<72xi32, #tpu.memory_space<hbm>>
    %dma_wait3A_152 = arith.constant 0 : i32
    %dma_wait3A_153 = tpu.memref_slice %arg9[%dma_wait3A_152] : memref<72xi32, #tpu.memory_space<vmem>> -> memref<72xi32, #tpu.memory_space<vmem>>
    %dma_wait3A_154 = tpu.memref_slice %arg3[%add3A_148] : memref<320000xi32, #tpu.memory_space<hbm>> -> memref<72xi32, #tpu.memory_space<hbm>>
    tpu.wait_dma2 semaphore(%arg19 : memref<!tpu.dma_semaphore, #tpu.memory_space<semaphore_mem>>) src(%dma_wait3A_154 : memref<72xi32, #tpu.memory_space<hbm>>) dst(%dma_wait3A_153 : memref<72xi32, #tpu.memory_space<vmem>>)
    %dma_start3A_155 = arith.constant 0 : i32
    %dma_start3A_156 = arith.constant 0 : i32
    %dma_start3A_157 = tpu.memref_slice %arg14[%dma_start3A_155, %dma_start3A_156] : memref<72x128xf32, #tpu.memory_space<vmem>> -> memref<72x128xf32, #tpu.memory_space<vmem>>
    %dma_start3A_158 = arith.constant 0 : i32
    %dma_start3A_159 = tpu.memref_slice %arg9[%dma_start3A_158] : memref<72xi32, #tpu.memory_space<vmem>> -> memref<72xi32, #tpu.memory_space<vmem>>
    %dma_start3A_160 = arith.constant 0 : i32
    %dma_start3A_161 = arith.constant 0 : i32
    %dma_start3A_162 = tpu.memref_slice %arg2[%dma_start3A_160, %dma_start3A_161] : memref<10000x128xf32, #tpu.memory_space<hbm>> -> memref<10000x128xf32, #tpu.memory_space<hbm>>
    tpu.enqueue_indirect_dma source(%dma_start3A_162 : memref<10000x128xf32, #tpu.memory_space<hbm>>) target(%dma_start3A_157 : memref<72x128xf32, #tpu.memory_space<vmem>>) offsets(%dma_start3A_159 : memref<72xi32, #tpu.memory_space<vmem>>) semaphore(%arg24 : memref<!tpu.dma_semaphore, #tpu.memory_space<semaphore_mem>>)
    %dma_wait3A_163 = arith.constant 0 : i32
    %dma_wait3A_164 = arith.constant 0 : i32
    %dma_wait3A_165 = tpu.memref_slice %arg13[%dma_wait3A_163, %dma_wait3A_164] : memref<72x128xf32, #tpu.memory_space<vmem>> -> memref<72x128xf32, #tpu.memory_space<vmem>>
    %dma_wait3A_166 = arith.constant 0 : i32
    %dma_wait3A_167 = tpu.memref_slice %arg8[%dma_wait3A_166] : memref<72xi32, #tpu.memory_space<vmem>> -> memref<72xi32, #tpu.memory_space<vmem>>
    %dma_wait3A_168 = arith.constant 0 : i32
    %dma_wait3A_169 = arith.constant 0 : i32
    %dma_wait3A_170 = tpu.memref_slice %arg2[%dma_wait3A_168, %dma_wait3A_169] : memref<10000x128xf32, #tpu.memory_space<hbm>> -> memref<10000x128xf32, #tpu.memory_space<hbm>>
    tpu.wait_indirect_dma semaphore(%arg23 : memref<!tpu.dma_semaphore, #tpu.memory_space<semaphore_mem>>) src(%dma_wait3A_170 : memref<10000x128xf32, #tpu.memory_space<hbm>>) dst(%dma_wait3A_165 : memref<72x128xf32, #tpu.memory_space<vmem>>)
    %add3A_171 = arith.constant 504 : i32
    %add3A_172 = arith.addi %mul3A_2, %add3A_171 : i32
    %dma_start3A_173 = arith.constant 0 : i32
    %dma_start3A_174 = tpu.memref_slice %arg8[%dma_start3A_173] : memref<72xi32, #tpu.memory_space<vmem>> -> memref<72xi32, #tpu.memory_space<vmem>>
    %dma_start3A_175 = tpu.memref_slice %arg3[%add3A_172] : memref<320000xi32, #tpu.memory_space<hbm>> -> memref<72xi32, #tpu.memory_space<hbm>>
    %dma_start3A_176 = arith.constant 0 : i32
    %dma_start3A_177 = tpu.memref_slice %arg8[%dma_start3A_176] : memref<72xi32, #tpu.memory_space<vmem>> -> memref<72xi32, #tpu.memory_space<vmem>>
    %dma_start3A_178 = tpu.memref_slice %arg3[%add3A_172] : memref<320000xi32, #tpu.memory_space<hbm>> -> memref<72xi32, #tpu.memory_space<hbm>>
    tpu.enqueue_dma source(%dma_start3A_178 : memref<72xi32, #tpu.memory_space<hbm>>) target(%dma_start3A_177 : memref<72xi32, #tpu.memory_space<vmem>>) target_semaphore(%arg18 : memref<!tpu.dma_semaphore, #tpu.memory_space<semaphore_mem>>)
    %add3A_179 = arith.constant 144 : i32
    %add3A_180 = arith.addi %mul3A_2, %add3A_179 : i32
    %dma_start3A_181 = arith.constant 0 : i32
    %dma_start3A_182 = arith.constant 0 : i32
    %dma_start3A_183 = tpu.memref_slice %arg13[%dma_start3A_181, %dma_start3A_182] : memref<72x128xf32, #tpu.memory_space<vmem>> -> memref<72x128xf32, #tpu.memory_space<vmem>>
    %dma_start3A_184 = arith.constant 0 : i32
    %dma_start3A_185 = tpu.memref_slice %arg4[%add3A_180, %dma_start3A_184] : memref<320000x128xf32, #tpu.memory_space<hbm>> -> memref<72x128xf32, #tpu.memory_space<hbm>>
    %dma_start3A_186 = arith.constant 0 : i32
    %dma_start3A_187 = tpu.memref_slice %arg4[%add3A_180, %dma_start3A_186] : memref<320000x128xf32, #tpu.memory_space<hbm>> -> memref<72x128xf32, #tpu.memory_space<hbm>>
    %dma_start3A_188 = arith.constant 0 : i32
    %dma_start3A_189 = arith.constant 0 : i32
    %dma_start3A_190 = tpu.memref_slice %arg13[%dma_start3A_188, %dma_start3A_189] : memref<72x128xf32, #tpu.memory_space<vmem>> -> memref<72x128xf32, #tpu.memory_space<vmem>>
    tpu.enqueue_dma source(%dma_start3A_190 : memref<72x128xf32, #tpu.memory_space<vmem>>) target(%dma_start3A_187 : memref<72x128xf32, #tpu.memory_space<hbm>>) target_semaphore(%arg28 : memref<!tpu.dma_semaphore, #tpu.memory_space<semaphore_mem>>)
    %add3A_191 = arith.constant 288 : i32
    %add3A_192 = arith.addi %mul3A_2, %add3A_191 : i32
    %dma_wait3A_193 = arith.constant 0 : i32
    %dma_wait3A_194 = tpu.memref_slice %arg10[%dma_wait3A_193] : memref<72xi32, #tpu.memory_space<vmem>> -> memref<72xi32, #tpu.memory_space<vmem>>
    %dma_wait3A_195 = tpu.memref_slice %arg3[%add3A_192] : memref<320000xi32, #tpu.memory_space<hbm>> -> memref<72xi32, #tpu.memory_space<hbm>>
    %dma_wait3A_196 = arith.constant 0 : i32
    %dma_wait3A_197 = tpu.memref_slice %arg10[%dma_wait3A_196] : memref<72xi32, #tpu.memory_space<vmem>> -> memref<72xi32, #tpu.memory_space<vmem>>
    %dma_wait3A_198 = tpu.memref_slice %arg3[%add3A_192] : memref<320000xi32, #tpu.memory_space<hbm>> -> memref<72xi32, #tpu.memory_space<hbm>>
    tpu.wait_dma2 semaphore(%arg20 : memref<!tpu.dma_semaphore, #tpu.memory_space<semaphore_mem>>) src(%dma_wait3A_198 : memref<72xi32, #tpu.memory_space<hbm>>) dst(%dma_wait3A_197 : memref<72xi32, #tpu.memory_space<vmem>>)
    %dma_start3A_199 = arith.constant 0 : i32
    %dma_start3A_200 = arith.constant 0 : i32
    %dma_start3A_201 = tpu.memref_slice %arg15[%dma_start3A_199, %dma_start3A_200] : memref<72x128xf32, #tpu.memory_space<vmem>> -> memref<72x128xf32, #tpu.memory_space<vmem>>
    %dma_start3A_202 = arith.constant 0 : i32
    %dma_start3A_203 = tpu.memref_slice %arg10[%dma_start3A_202] : memref<72xi32, #tpu.memory_space<vmem>> -> memref<72xi32, #tpu.memory_space<vmem>>
    %dma_start3A_204 = arith.constant 0 : i32
    %dma_start3A_205 = arith.constant 0 : i32
    %dma_start3A_206 = tpu.memref_slice %arg2[%dma_start3A_204, %dma_start3A_205] : memref<10000x128xf32, #tpu.memory_space<hbm>> -> memref<10000x128xf32, #tpu.memory_space<hbm>>
    tpu.enqueue_indirect_dma source(%dma_start3A_206 : memref<10000x128xf32, #tpu.memory_space<hbm>>) target(%dma_start3A_201 : memref<72x128xf32, #tpu.memory_space<vmem>>) offsets(%dma_start3A_203 : memref<72xi32, #tpu.memory_space<vmem>>) semaphore(%arg25 : memref<!tpu.dma_semaphore, #tpu.memory_space<semaphore_mem>>)
    %dma_wait3A_207 = arith.constant 0 : i32
    %dma_wait3A_208 = arith.constant 0 : i32
    %dma_wait3A_209 = tpu.memref_slice %arg14[%dma_wait3A_207, %dma_wait3A_208] : memref<72x128xf32, #tpu.memory_space<vmem>> -> memref<72x128xf32, #tpu.memory_space<vmem>>
    %dma_wait3A_210 = arith.constant 0 : i32
    %dma_wait3A_211 = tpu.memref_slice %arg9[%dma_wait3A_210] : memref<72xi32, #tpu.memory_space<vmem>> -> memref<72xi32, #tpu.memory_space<vmem>>
    %dma_wait3A_212 = arith.constant 0 : i32
    %dma_wait3A_213 = arith.constant 0 : i32
    %dma_wait3A_214 = tpu.memref_slice %arg2[%dma_wait3A_212, %dma_wait3A_213] : memref<10000x128xf32, #tpu.memory_space<hbm>> -> memref<10000x128xf32, #tpu.memory_space<hbm>>
    tpu.wait_indirect_dma semaphore(%arg24 : memref<!tpu.dma_semaphore, #tpu.memory_space<semaphore_mem>>) src(%dma_wait3A_214 : memref<10000x128xf32, #tpu.memory_space<hbm>>) dst(%dma_wait3A_209 : memref<72x128xf32, #tpu.memory_space<vmem>>)
    %add3A_215 = arith.constant 576 : i32
    %add3A_216 = arith.addi %mul3A_2, %add3A_215 : i32
    %dma_start3A_217 = arith.constant 0 : i32
    %dma_start3A_218 = tpu.memref_slice %arg9[%dma_start3A_217] : memref<72xi32, #tpu.memory_space<vmem>> -> memref<72xi32, #tpu.memory_space<vmem>>
    %dma_start3A_219 = tpu.memref_slice %arg3[%add3A_216] : memref<320000xi32, #tpu.memory_space<hbm>> -> memref<72xi32, #tpu.memory_space<hbm>>
    %dma_start3A_220 = arith.constant 0 : i32
    %dma_start3A_221 = tpu.memref_slice %arg9[%dma_start3A_220] : memref<72xi32, #tpu.memory_space<vmem>> -> memref<72xi32, #tpu.memory_space<vmem>>
    %dma_start3A_222 = tpu.memref_slice %arg3[%add3A_216] : memref<320000xi32, #tpu.memory_space<hbm>> -> memref<72xi32, #tpu.memory_space<hbm>>
    tpu.enqueue_dma source(%dma_start3A_222 : memref<72xi32, #tpu.memory_space<hbm>>) target(%dma_start3A_221 : memref<72xi32, #tpu.memory_space<vmem>>) target_semaphore(%arg19 : memref<!tpu.dma_semaphore, #tpu.memory_space<semaphore_mem>>)
    %add3A_223 = arith.constant 216 : i32
    %add3A_224 = arith.addi %mul3A_2, %add3A_223 : i32
    %dma_start3A_225 = arith.constant 0 : i32
    %dma_start3A_226 = arith.constant 0 : i32
    %dma_start3A_227 = tpu.memref_slice %arg14[%dma_start3A_225, %dma_start3A_226] : memref<72x128xf32, #tpu.memory_space<vmem>> -> memref<72x128xf32, #tpu.memory_space<vmem>>
    %dma_start3A_228 = arith.constant 0 : i32
    %dma_start3A_229 = tpu.memref_slice %arg4[%add3A_224, %dma_start3A_228] : memref<320000x128xf32, #tpu.memory_space<hbm>> -> memref<72x128xf32, #tpu.memory_space<hbm>>
    %dma_start3A_230 = arith.constant 0 : i32
    %dma_start3A_231 = tpu.memref_slice %arg4[%add3A_224, %dma_start3A_230] : memref<320000x128xf32, #tpu.memory_space<hbm>> -> memref<72x128xf32, #tpu.memory_space<hbm>>
    %dma_start3A_232 = arith.constant 0 : i32
    %dma_start3A_233 = arith.constant 0 : i32
    %dma_start3A_234 = tpu.memref_slice %arg14[%dma_start3A_232, %dma_start3A_233] : memref<72x128xf32, #tpu.memory_space<vmem>> -> memref<72x128xf32, #tpu.memory_space<vmem>>
    tpu.enqueue_dma source(%dma_start3A_234 : memref<72x128xf32, #tpu.memory_space<vmem>>) target(%dma_start3A_231 : memref<72x128xf32, #tpu.memory_space<hbm>>) target_semaphore(%arg29 : memref<!tpu.dma_semaphore, #tpu.memory_space<semaphore_mem>>)
    %add3A_235 = arith.constant 0 : i32
    %add3A_236 = arith.addi %mul3A_2, %add3A_235 : i32
    %dma_wait3A_237 = arith.constant 0 : i32
    %dma_wait3A_238 = arith.constant 0 : i32
    %dma_wait3A_239 = tpu.memref_slice %arg11[%dma_wait3A_237, %dma_wait3A_238] : memref<72x128xf32, #tpu.memory_space<vmem>> -> memref<72x128xf32, #tpu.memory_space<vmem>>
    %dma_wait3A_240 = arith.constant 0 : i32
    %dma_wait3A_241 = tpu.memref_slice %arg4[%add3A_236, %dma_wait3A_240] : memref<320000x128xf32, #tpu.memory_space<hbm>> -> memref<72x128xf32, #tpu.memory_space<hbm>>
    %dma_wait3A_242 = arith.constant 0 : i32
    %dma_wait3A_243 = tpu.memref_slice %arg4[%add3A_236, %dma_wait3A_242] : memref<320000x128xf32, #tpu.memory_space<hbm>> -> memref<72x128xf32, #tpu.memory_space<hbm>>
    %dma_wait3A_244 = arith.constant 0 : i32
    %dma_wait3A_245 = arith.constant 0 : i32
    %dma_wait3A_246 = tpu.memref_slice %arg11[%dma_wait3A_244, %dma_wait3A_245] : memref<72x128xf32, #tpu.memory_space<vmem>> -> memref<72x128xf32, #tpu.memory_space<vmem>>
    tpu.wait_dma2 semaphore(%arg26 : memref<!tpu.dma_semaphore, #tpu.memory_space<semaphore_mem>>) src(%dma_wait3A_246 : memref<72x128xf32, #tpu.memory_space<vmem>>) dst(%dma_wait3A_243 : memref<72x128xf32, #tpu.memory_space<hbm>>)
    %add3A_247 = arith.constant 360 : i32
    %add3A_248 = arith.addi %mul3A_2, %add3A_247 : i32
    %dma_wait3A_249 = arith.constant 0 : i32
    %dma_wait3A_250 = tpu.memref_slice %arg6[%dma_wait3A_249] : memref<72xi32, #tpu.memory_space<vmem>> -> memref<72xi32, #tpu.memory_space<vmem>>
    %dma_wait3A_251 = tpu.memref_slice %arg3[%add3A_248] : memref<320000xi32, #tpu.memory_space<hbm>> -> memref<72xi32, #tpu.memory_space<hbm>>
    %dma_wait3A_252 = arith.constant 0 : i32
    %dma_wait3A_253 = tpu.memref_slice %arg6[%dma_wait3A_252] : memref<72xi32, #tpu.memory_space<vmem>> -> memref<72xi32, #tpu.memory_space<vmem>>
    %dma_wait3A_254 = tpu.memref_slice %arg3[%add3A_248] : memref<320000xi32, #tpu.memory_space<hbm>> -> memref<72xi32, #tpu.memory_space<hbm>>
    tpu.wait_dma2 semaphore(%arg16 : memref<!tpu.dma_semaphore, #tpu.memory_space<semaphore_mem>>) src(%dma_wait3A_254 : memref<72xi32, #tpu.memory_space<hbm>>) dst(%dma_wait3A_253 : memref<72xi32, #tpu.memory_space<vmem>>)
    %dma_start3A_255 = arith.constant 0 : i32
    %dma_start3A_256 = arith.constant 0 : i32
    %dma_start3A_257 = tpu.memref_slice %arg11[%dma_start3A_255, %dma_start3A_256] : memref<72x128xf32, #tpu.memory_space<vmem>> -> memref<72x128xf32, #tpu.memory_space<vmem>>
    %dma_start3A_258 = arith.constant 0 : i32
    %dma_start3A_259 = tpu.memref_slice %arg6[%dma_start3A_258] : memref<72xi32, #tpu.memory_space<vmem>> -> memref<72xi32, #tpu.memory_space<vmem>>
    %dma_start3A_260 = arith.constant 0 : i32
    %dma_start3A_261 = arith.constant 0 : i32
    %dma_start3A_262 = tpu.memref_slice %arg2[%dma_start3A_260, %dma_start3A_261] : memref<10000x128xf32, #tpu.memory_space<hbm>> -> memref<10000x128xf32, #tpu.memory_space<hbm>>
    tpu.enqueue_indirect_dma source(%dma_start3A_262 : memref<10000x128xf32, #tpu.memory_space<hbm>>) target(%dma_start3A_257 : memref<72x128xf32, #tpu.memory_space<vmem>>) offsets(%dma_start3A_259 : memref<72xi32, #tpu.memory_space<vmem>>) semaphore(%arg21 : memref<!tpu.dma_semaphore, #tpu.memory_space<semaphore_mem>>)
    %dma_wait3A_263 = arith.constant 0 : i32
    %dma_wait3A_264 = arith.constant 0 : i32
    %dma_wait3A_265 = tpu.memref_slice %arg15[%dma_wait3A_263, %dma_wait3A_264] : memref<72x128xf32, #tpu.memory_space<vmem>> -> memref<72x128xf32, #tpu.memory_space<vmem>>
    %dma_wait3A_266 = arith.constant 0 : i32
    %dma_wait3A_267 = tpu.memref_slice %arg10[%dma_wait3A_266] : memref<72xi32, #tpu.memory_space<vmem>> -> memref<72xi32, #tpu.memory_space<vmem>>
    %dma_wait3A_268 = arith.constant 0 : i32
    %dma_wait3A_269 = arith.constant 0 : i32
    %dma_wait3A_270 = tpu.memref_slice %arg2[%dma_wait3A_268, %dma_wait3A_269] : memref<10000x128xf32, #tpu.memory_space<hbm>> -> memref<10000x128xf32, #tpu.memory_space<hbm>>
    tpu.wait_indirect_dma semaphore(%arg25 : memref<!tpu.dma_semaphore, #tpu.memory_space<semaphore_mem>>) src(%dma_wait3A_270 : memref<10000x128xf32, #tpu.memory_space<hbm>>) dst(%dma_wait3A_265 : memref<72x128xf32, #tpu.memory_space<vmem>>)
    %add3A_271 = arith.constant 648 : i32
    %add3A_272 = arith.addi %mul3A_2, %add3A_271 : i32
    %dma_start3A_273 = arith.constant 0 : i32
    %dma_start3A_274 = tpu.memref_slice %arg10[%dma_start3A_273] : memref<72xi32, #tpu.memory_space<vmem>> -> memref<72xi32, #tpu.memory_space<vmem>>
    %dma_start3A_275 = tpu.memref_slice %arg3[%add3A_272] : memref<320000xi32, #tpu.memory_space<hbm>> -> memref<72xi32, #tpu.memory_space<hbm>>
    %dma_start3A_276 = arith.constant 0 : i32
    %dma_start3A_277 = tpu.memref_slice %arg10[%dma_start3A_276] : memref<72xi32, #tpu.memory_space<vmem>> -> memref<72xi32, #tpu.memory_space<vmem>>
    %dma_start3A_278 = tpu.memref_slice %arg3[%add3A_272] : memref<320000xi32, #tpu.memory_space<hbm>> -> memref<72xi32, #tpu.memory_space<hbm>>
    tpu.enqueue_dma source(%dma_start3A_278 : memref<72xi32, #tpu.memory_space<hbm>>) target(%dma_start3A_277 : memref<72xi32, #tpu.memory_space<vmem>>) target_semaphore(%arg20 : memref<!tpu.dma_semaphore, #tpu.memory_space<semaphore_mem>>)
    %add3A_279 = arith.constant 288 : i32
    %add3A_280 = arith.addi %mul3A_2, %add3A_279 : i32
    %dma_start3A_281 = arith.constant 0 : i32
    %dma_start3A_282 = arith.constant 0 : i32
    %dma_start3A_283 = tpu.memref_slice %arg15[%dma_start3A_281, %dma_start3A_282] : memref<72x128xf32, #tpu.memory_space<vmem>> -> memref<72x128xf32, #tpu.memory_space<vmem>>
    %dma_start3A_284 = arith.constant 0 : i32
    %dma_start3A_285 = tpu.memref_slice %arg4[%add3A_280, %dma_start3A_284] : memref<320000x128xf32, #tpu.memory_space<hbm>> -> memref<72x128xf32, #tpu.memory_space<hbm>>
    %dma_start3A_286 = arith.constant 0 : i32
    %dma_start3A_287 = tpu.memref_slice %arg4[%add3A_280, %dma_start3A_286] : memref<320000x128xf32, #tpu.memory_space<hbm>> -> memref<72x128xf32, #tpu.memory_space<hbm>>
    %dma_start3A_288 = arith.constant 0 : i32
    %dma_start3A_289 = arith.constant 0 : i32
    %dma_start3A_290 = tpu.memref_slice %arg15[%dma_start3A_288, %dma_start3A_289] : memref<72x128xf32, #tpu.memory_space<vmem>> -> memref<72x128xf32, #tpu.memory_space<vmem>>
    tpu.enqueue_dma source(%dma_start3A_290 : memref<72x128xf32, #tpu.memory_space<vmem>>) target(%dma_start3A_287 : memref<72x128xf32, #tpu.memory_space<hbm>>) target_semaphore(%arg30 : memref<!tpu.dma_semaphore, #tpu.memory_space<semaphore_mem>>)
    %add3A_291 = arith.constant 72 : i32
    %add3A_292 = arith.addi %mul3A_2, %add3A_291 : i32
    %dma_wait3A_293 = arith.constant 0 : i32
    %dma_wait3A_294 = arith.constant 0 : i32
    %dma_wait3A_295 = tpu.memref_slice %arg12[%dma_wait3A_293, %dma_wait3A_294] : memref<72x128xf32, #tpu.memory_space<vmem>> -> memref<72x128xf32, #tpu.memory_space<vmem>>
    %dma_wait3A_296 = arith.constant 0 : i32
    %dma_wait3A_297 = tpu.memref_slice %arg4[%add3A_292, %dma_wait3A_296] : memref<320000x128xf32, #tpu.memory_space<hbm>> -> memref<72x128xf32, #tpu.memory_space<hbm>>
    %dma_wait3A_298 = arith.constant 0 : i32
    %dma_wait3A_299 = tpu.memref_slice %arg4[%add3A_292, %dma_wait3A_298] : memref<320000x128xf32, #tpu.memory_space<hbm>> -> memref<72x128xf32, #tpu.memory_space<hbm>>
    %dma_wait3A_300 = arith.constant 0 : i32
    %dma_wait3A_301 = arith.constant 0 : i32
    %dma_wait3A_302 = tpu.memref_slice %arg12[%dma_wait3A_300, %dma_wait3A_301] : memref<72x128xf32, #tpu.memory_space<vmem>> -> memref<72x128xf32, #tpu.memory_space<vmem>>
    tpu.wait_dma2 semaphore(%arg27 : memref<!tpu.dma_semaphore, #tpu.memory_space<semaphore_mem>>) src(%dma_wait3A_302 : memref<72x128xf32, #tpu.memory_space<vmem>>) dst(%dma_wait3A_299 : memref<72x128xf32, #tpu.memory_space<hbm>>)
    %add3A_303 = arith.constant 432 : i32
    %add3A_304 = arith.addi %mul3A_2, %add3A_303 : i32
    %dma_wait3A_305 = arith.constant 0 : i32
    %dma_wait3A_306 = tpu.memref_slice %arg7[%dma_wait3A_305] : memref<72xi32, #tpu.memory_space<vmem>> -> memref<72xi32, #tpu.memory_space<vmem>>
    %dma_wait3A_307 = tpu.memref_slice %arg3[%add3A_304] : memref<320000xi32, #tpu.memory_space<hbm>> -> memref<72xi32, #tpu.memory_space<hbm>>
    %dma_wait3A_308 = arith.constant 0 : i32
    %dma_wait3A_309 = tpu.memref_slice %arg7[%dma_wait3A_308] : memref<72xi32, #tpu.memory_space<vmem>> -> memref<72xi32, #tpu.memory_space<vmem>>
    %dma_wait3A_310 = tpu.memref_slice %arg3[%add3A_304] : memref<320000xi32, #tpu.memory_space<hbm>> -> memref<72xi32, #tpu.memory_space<hbm>>
    tpu.wait_dma2 semaphore(%arg17 : memref<!tpu.dma_semaphore, #tpu.memory_space<semaphore_mem>>) src(%dma_wait3A_310 : memref<72xi32, #tpu.memory_space<hbm>>) dst(%dma_wait3A_309 : memref<72xi32, #tpu.memory_space<vmem>>)
    %dma_start3A_311 = arith.constant 0 : i32
    %dma_start3A_312 = arith.constant 0 : i32
    %dma_start3A_313 = tpu.memref_slice %arg12[%dma_start3A_311, %dma_start3A_312] : memref<72x128xf32, #tpu.memory_space<vmem>> -> memref<72x128xf32, #tpu.memory_space<vmem>>
    %dma_start3A_314 = arith.constant 0 : i32
    %dma_start3A_315 = tpu.memref_slice %arg7[%dma_start3A_314] : memref<72xi32, #tpu.memory_space<vmem>> -> memref<72xi32, #tpu.memory_space<vmem>>
    %dma_start3A_316 = arith.constant 0 : i32
    %dma_start3A_317 = arith.constant 0 : i32
    %dma_start3A_318 = tpu.memref_slice %arg2[%dma_start3A_316, %dma_start3A_317] : memref<10000x128xf32, #tpu.memory_space<hbm>> -> memref<10000x128xf32, #tpu.memory_space<hbm>>
    tpu.enqueue_indirect_dma source(%dma_start3A_318 : memref<10000x128xf32, #tpu.memory_space<hbm>>) target(%dma_start3A_313 : memref<72x128xf32, #tpu.memory_space<vmem>>) offsets(%dma_start3A_315 : memref<72xi32, #tpu.memory_space<vmem>>) semaphore(%arg22 : memref<!tpu.dma_semaphore, #tpu.memory_space<semaphore_mem>>)
    %lt3A_319 = arith.constant 10 : i32
    %lt3A_320 = arith.cmpi slt, %arg1, %lt3A_319 : i32
    %convert_element_type3A_321 = arith.extui %lt3A_320 : i1 to i32
    %cond3A_322 = arith.constant 0 : i32
    %cond3A_323 = arith.cmpi ne, %convert_element_type3A_321, %cond3A_322 : i32
    scf.if %cond3A_323 {
      %mul3A_796 = arith.constant 1000 : i32
      %mul3A_797 = arith.muli %arg1, %mul3A_796 : i32
      %dma_wait3A_798 = arith.constant 0 : i32
      %dma_wait3A_799 = tpu.memref_slice %arg5[%mul3A_797, %dma_wait3A_798] : memref<10000x128xf32, #tpu.memory_space<vmem_shared>> -> memref<1000x128xf32, #tpu.memory_space<vmem_shared>>
      %dma_wait3A_800 = arith.constant 0 : i32
      %dma_wait3A_801 = tpu.memref_slice %arg2[%mul3A_797, %dma_wait3A_800] : memref<10000x128xf32, #tpu.memory_space<hbm>> -> memref<1000x128xf32, #tpu.memory_space<hbm>>
      tpu.wait_dma2 semaphore(%arg31 : memref<!tpu.dma_semaphore, #tpu.memory_space<semaphore_mem>>) src(%dma_wait3A_801 : memref<1000x128xf32, #tpu.memory_space<hbm>>) dst(%dma_wait3A_799 : memref<1000x128xf32, #tpu.memory_space<vmem_shared>>)
    } else {
    }
    %barrier3A = arith.constant 0 : index
    tpu.barrier barrier_id(%barrier3A)
    %dma_wait3A_324 = arith.constant 0 : i32
    %dma_wait3A_325 = arith.constant 0 : i32
    %dma_wait3A_326 = tpu.memref_slice %arg11[%dma_wait3A_324, %dma_wait3A_325] : memref<72x128xf32, #tpu.memory_space<vmem>> -> memref<72x128xf32, #tpu.memory_space<vmem>>
    %dma_wait3A_327 = arith.constant 0 : i32
    %dma_wait3A_328 = tpu.memref_slice %arg6[%dma_wait3A_327] : memref<72xi32, #tpu.memory_space<vmem>> -> memref<72xi32, #tpu.memory_space<vmem>>
    %dma_wait3A_329 = arith.constant 0 : i32
    %dma_wait3A_330 = arith.constant 0 : i32
    %dma_wait3A_331 = tpu.memref_slice %arg2[%dma_wait3A_329, %dma_wait3A_330] : memref<10000x128xf32, #tpu.memory_space<hbm>> -> memref<10000x128xf32, #tpu.memory_space<hbm>>
    tpu.wait_indirect_dma semaphore(%arg21 : memref<!tpu.dma_semaphore, #tpu.memory_space<semaphore_mem>>) src(%dma_wait3A_331 : memref<10000x128xf32, #tpu.memory_space<hbm>>) dst(%dma_wait3A_326 : memref<72x128xf32, #tpu.memory_space<vmem>>)
    %add3A_332 = arith.constant 720 : i32
    %add3A_333 = arith.addi %mul3A_2, %add3A_332 : i32
    %dma_start3A_334 = arith.constant 0 : i32
    %dma_start3A_335 = tpu.memref_slice %arg6[%dma_start3A_334] : memref<72xi32, #tpu.memory_space<vmem>> -> memref<72xi32, #tpu.memory_space<vmem>>
    %dma_start3A_336 = tpu.memref_slice %arg3[%add3A_333] : memref<320000xi32, #tpu.memory_space<hbm>> -> memref<72xi32, #tpu.memory_space<hbm>>
    %dma_start3A_337 = arith.constant 0 : i32
    %dma_start3A_338 = tpu.memref_slice %arg6[%dma_start3A_337] : memref<72xi32, #tpu.memory_space<vmem>> -> memref<72xi32, #tpu.memory_space<vmem>>
    %dma_start3A_339 = tpu.memref_slice %arg3[%add3A_333] : memref<320000xi32, #tpu.memory_space<hbm>> -> memref<72xi32, #tpu.memory_space<hbm>>
    tpu.enqueue_dma source(%dma_start3A_339 : memref<72xi32, #tpu.memory_space<hbm>>) target(%dma_start3A_338 : memref<72xi32, #tpu.memory_space<vmem>>) target_semaphore(%arg16 : memref<!tpu.dma_semaphore, #tpu.memory_space<semaphore_mem>>)
    %add3A_340 = arith.constant 360 : i32
    %add3A_341 = arith.addi %mul3A_2, %add3A_340 : i32
    %dma_start3A_342 = arith.constant 0 : i32
    %dma_start3A_343 = arith.constant 0 : i32
    %dma_start3A_344 = tpu.memref_slice %arg11[%dma_start3A_342, %dma_start3A_343] : memref<72x128xf32, #tpu.memory_space<vmem>> -> memref<72x128xf32, #tpu.memory_space<vmem>>
    %dma_start3A_345 = arith.constant 0 : i32
    %dma_start3A_346 = tpu.memref_slice %arg4[%add3A_341, %dma_start3A_345] : memref<320000x128xf32, #tpu.memory_space<hbm>> -> memref<72x128xf32, #tpu.memory_space<hbm>>
    %dma_start3A_347 = arith.constant 0 : i32
    %dma_start3A_348 = tpu.memref_slice %arg4[%add3A_341, %dma_start3A_347] : memref<320000x128xf32, #tpu.memory_space<hbm>> -> memref<72x128xf32, #tpu.memory_space<hbm>>
    %dma_start3A_349 = arith.constant 0 : i32
    %dma_start3A_350 = arith.constant 0 : i32
    %dma_start3A_351 = tpu.memref_slice %arg11[%dma_start3A_349, %dma_start3A_350] : memref<72x128xf32, #tpu.memory_space<vmem>> -> memref<72x128xf32, #tpu.memory_space<vmem>>
    tpu.enqueue_dma source(%dma_start3A_351 : memref<72x128xf32, #tpu.memory_space<vmem>>) target(%dma_start3A_348 : memref<72x128xf32, #tpu.memory_space<hbm>>) target_semaphore(%arg26 : memref<!tpu.dma_semaphore, #tpu.memory_space<semaphore_mem>>)
    %add3A_352 = arith.constant 144 : i32
    %add3A_353 = arith.addi %mul3A_2, %add3A_352 : i32
    %dma_wait3A_354 = arith.constant 0 : i32
    %dma_wait3A_355 = arith.constant 0 : i32
    %dma_wait3A_356 = tpu.memref_slice %arg13[%dma_wait3A_354, %dma_wait3A_355] : memref<72x128xf32, #tpu.memory_space<vmem>> -> memref<72x128xf32, #tpu.memory_space<vmem>>
    %dma_wait3A_357 = arith.constant 0 : i32
    %dma_wait3A_358 = tpu.memref_slice %arg4[%add3A_353, %dma_wait3A_357] : memref<320000x128xf32, #tpu.memory_space<hbm>> -> memref<72x128xf32, #tpu.memory_space<hbm>>
    %dma_wait3A_359 = arith.constant 0 : i32
    %dma_wait3A_360 = tpu.memref_slice %arg4[%add3A_353, %dma_wait3A_359] : memref<320000x128xf32, #tpu.memory_space<hbm>> -> memref<72x128xf32, #tpu.memory_space<hbm>>
    %dma_wait3A_361 = arith.constant 0 : i32
    %dma_wait3A_362 = arith.constant 0 : i32
    %dma_wait3A_363 = tpu.memref_slice %arg13[%dma_wait3A_361, %dma_wait3A_362] : memref<72x128xf32, #tpu.memory_space<vmem>> -> memref<72x128xf32, #tpu.memory_space<vmem>>
    tpu.wait_dma2 semaphore(%arg28 : memref<!tpu.dma_semaphore, #tpu.memory_space<semaphore_mem>>) src(%dma_wait3A_363 : memref<72x128xf32, #tpu.memory_space<vmem>>) dst(%dma_wait3A_360 : memref<72x128xf32, #tpu.memory_space<hbm>>)
    %add3A_364 = arith.constant 504 : i32
    %add3A_365 = arith.addi %mul3A_2, %add3A_364 : i32
    %dma_wait3A_366 = arith.constant 0 : i32
    %dma_wait3A_367 = tpu.memref_slice %arg8[%dma_wait3A_366] : memref<72xi32, #tpu.memory_space<vmem>> -> memref<72xi32, #tpu.memory_space<vmem>>
    %dma_wait3A_368 = tpu.memref_slice %arg3[%add3A_365] : memref<320000xi32, #tpu.memory_space<hbm>> -> memref<72xi32, #tpu.memory_space<hbm>>
    %dma_wait3A_369 = arith.constant 0 : i32
    %dma_wait3A_370 = tpu.memref_slice %arg8[%dma_wait3A_369] : memref<72xi32, #tpu.memory_space<vmem>> -> memref<72xi32, #tpu.memory_space<vmem>>
    %dma_wait3A_371 = tpu.memref_slice %arg3[%add3A_365] : memref<320000xi32, #tpu.memory_space<hbm>> -> memref<72xi32, #tpu.memory_space<hbm>>
    tpu.wait_dma2 semaphore(%arg18 : memref<!tpu.dma_semaphore, #tpu.memory_space<semaphore_mem>>) src(%dma_wait3A_371 : memref<72xi32, #tpu.memory_space<hbm>>) dst(%dma_wait3A_370 : memref<72xi32, #tpu.memory_space<vmem>>)
    %dma_start3A_372 = arith.constant 0 : i32
    %dma_start3A_373 = arith.constant 0 : i32
    %dma_start3A_374 = tpu.memref_slice %arg13[%dma_start3A_372, %dma_start3A_373] : memref<72x128xf32, #tpu.memory_space<vmem>> -> memref<72x128xf32, #tpu.memory_space<vmem>>
    %dma_start3A_375 = arith.constant 0 : i32
    %dma_start3A_376 = tpu.memref_slice %arg8[%dma_start3A_375] : memref<72xi32, #tpu.memory_space<vmem>> -> memref<72xi32, #tpu.memory_space<vmem>>
    %dma_start3A_377 = arith.constant 0 : i32
    %dma_start3A_378 = arith.constant 0 : i32
    %dma_start3A_379 = tpu.memref_slice %arg5[%dma_start3A_377, %dma_start3A_378] : memref<10000x128xf32, #tpu.memory_space<vmem_shared>> -> memref<10000x128xf32, #tpu.memory_space<vmem_shared>>
    tpu.enqueue_indirect_dma source(%dma_start3A_379 : memref<10000x128xf32, #tpu.memory_space<vmem_shared>>) target(%dma_start3A_374 : memref<72x128xf32, #tpu.memory_space<vmem>>) offsets(%dma_start3A_376 : memref<72xi32, #tpu.memory_space<vmem>>) semaphore(%arg23 : memref<!tpu.dma_semaphore, #tpu.memory_space<semaphore_mem>>)
    %dma_wait3A_380 = arith.constant 0 : i32
    %dma_wait3A_381 = arith.constant 0 : i32
    %dma_wait3A_382 = tpu.memref_slice %arg12[%dma_wait3A_380, %dma_wait3A_381] : memref<72x128xf32, #tpu.memory_space<vmem>> -> memref<72x128xf32, #tpu.memory_space<vmem>>
    %dma_wait3A_383 = arith.constant 0 : i32
    %dma_wait3A_384 = tpu.memref_slice %arg7[%dma_wait3A_383] : memref<72xi32, #tpu.memory_space<vmem>> -> memref<72xi32, #tpu.memory_space<vmem>>
    %dma_wait3A_385 = arith.constant 0 : i32
    %dma_wait3A_386 = arith.constant 0 : i32
    %dma_wait3A_387 = tpu.memref_slice %arg2[%dma_wait3A_385, %dma_wait3A_386] : memref<10000x128xf32, #tpu.memory_space<hbm>> -> memref<10000x128xf32, #tpu.memory_space<hbm>>
    tpu.wait_indirect_dma semaphore(%arg22 : memref<!tpu.dma_semaphore, #tpu.memory_space<semaphore_mem>>) src(%dma_wait3A_387 : memref<10000x128xf32, #tpu.memory_space<hbm>>) dst(%dma_wait3A_382 : memref<72x128xf32, #tpu.memory_space<vmem>>)
    %add3A_388 = arith.constant 792 : i32
    %add3A_389 = arith.addi %mul3A_2, %add3A_388 : i32
    %dma_start3A_390 = arith.constant 0 : i32
    %dma_start3A_391 = tpu.memref_slice %arg7[%dma_start3A_390] : memref<72xi32, #tpu.memory_space<vmem>> -> memref<72xi32, #tpu.memory_space<vmem>>
    %dma_start3A_392 = tpu.memref_slice %arg3[%add3A_389] : memref<320000xi32, #tpu.memory_space<hbm>> -> memref<72xi32, #tpu.memory_space<hbm>>
    %dma_start3A_393 = arith.constant 0 : i32
    %dma_start3A_394 = tpu.memref_slice %arg7[%dma_start3A_393] : memref<72xi32, #tpu.memory_space<vmem>> -> memref<72xi32, #tpu.memory_space<vmem>>
    %dma_start3A_395 = tpu.memref_slice %arg3[%add3A_389] : memref<320000xi32, #tpu.memory_space<hbm>> -> memref<72xi32, #tpu.memory_space<hbm>>
    tpu.enqueue_dma source(%dma_start3A_395 : memref<72xi32, #tpu.memory_space<hbm>>) target(%dma_start3A_394 : memref<72xi32, #tpu.memory_space<vmem>>) target_semaphore(%arg17 : memref<!tpu.dma_semaphore, #tpu.memory_space<semaphore_mem>>)
    %add3A_396 = arith.constant 432 : i32
    %add3A_397 = arith.addi %mul3A_2, %add3A_396 : i32
    %dma_start3A_398 = arith.constant 0 : i32
    %dma_start3A_399 = arith.constant 0 : i32
    %dma_start3A_400 = tpu.memref_slice %arg12[%dma_start3A_398, %dma_start3A_399] : memref<72x128xf32, #tpu.memory_space<vmem>> -> memref<72x128xf32, #tpu.memory_space<vmem>>
    %dma_start3A_401 = arith.constant 0 : i32
    %dma_start3A_402 = tpu.memref_slice %arg4[%add3A_397, %dma_start3A_401] : memref<320000x128xf32, #tpu.memory_space<hbm>> -> memref<72x128xf32, #tpu.memory_space<hbm>>
    %dma_start3A_403 = arith.constant 0 : i32
    %dma_start3A_404 = tpu.memref_slice %arg4[%add3A_397, %dma_start3A_403] : memref<320000x128xf32, #tpu.memory_space<hbm>> -> memref<72x128xf32, #tpu.memory_space<hbm>>
    %dma_start3A_405 = arith.constant 0 : i32
    %dma_start3A_406 = arith.constant 0 : i32
    %dma_start3A_407 = tpu.memref_slice %arg12[%dma_start3A_405, %dma_start3A_406] : memref<72x128xf32, #tpu.memory_space<vmem>> -> memref<72x128xf32, #tpu.memory_space<vmem>>
    tpu.enqueue_dma source(%dma_start3A_407 : memref<72x128xf32, #tpu.memory_space<vmem>>) target(%dma_start3A_404 : memref<72x128xf32, #tpu.memory_space<hbm>>) target_semaphore(%arg27 : memref<!tpu.dma_semaphore, #tpu.memory_space<semaphore_mem>>)
    %add3A_408 = arith.constant 216 : i32
    %add3A_409 = arith.addi %mul3A_2, %add3A_408 : i32
    %dma_wait3A_410 = arith.constant 0 : i32
    %dma_wait3A_411 = arith.constant 0 : i32
    %dma_wait3A_412 = tpu.memref_slice %arg14[%dma_wait3A_410, %dma_wait3A_411] : memref<72x128xf32, #tpu.memory_space<vmem>> -> memref<72x128xf32, #tpu.memory_space<vmem>>
    %dma_wait3A_413 = arith.constant 0 : i32
    %dma_wait3A_414 = tpu.memref_slice %arg4[%add3A_409, %dma_wait3A_413] : memref<320000x128xf32, #tpu.memory_space<hbm>> -> memref<72x128xf32, #tpu.memory_space<hbm>>
    %dma_wait3A_415 = arith.constant 0 : i32
    %dma_wait3A_416 = tpu.memref_slice %arg4[%add3A_409, %dma_wait3A_415] : memref<320000x128xf32, #tpu.memory_space<hbm>> -> memref<72x128xf32, #tpu.memory_space<hbm>>
    %dma_wait3A_417 = arith.constant 0 : i32
    %dma_wait3A_418 = arith.constant 0 : i32
    %dma_wait3A_419 = tpu.memref_slice %arg14[%dma_wait3A_417, %dma_wait3A_418] : memref<72x128xf32, #tpu.memory_space<vmem>> -> memref<72x128xf32, #tpu.memory_space<vmem>>
    tpu.wait_dma2 semaphore(%arg29 : memref<!tpu.dma_semaphore, #tpu.memory_space<semaphore_mem>>) src(%dma_wait3A_419 : memref<72x128xf32, #tpu.memory_space<vmem>>) dst(%dma_wait3A_416 : memref<72x128xf32, #tpu.memory_space<hbm>>)
    %add3A_420 = arith.constant 576 : i32
    %add3A_421 = arith.addi %mul3A_2, %add3A_420 : i32
    %dma_wait3A_422 = arith.constant 0 : i32
    %dma_wait3A_423 = tpu.memref_slice %arg9[%dma_wait3A_422] : memref<72xi32, #tpu.memory_space<vmem>> -> memref<72xi32, #tpu.memory_space<vmem>>
    %dma_wait3A_424 = tpu.memref_slice %arg3[%add3A_421] : memref<320000xi32, #tpu.memory_space<hbm>> -> memref<72xi32, #tpu.memory_space<hbm>>
    %dma_wait3A_425 = arith.constant 0 : i32
    %dma_wait3A_426 = tpu.memref_slice %arg9[%dma_wait3A_425] : memref<72xi32, #tpu.memory_space<vmem>> -> memref<72xi32, #tpu.memory_space<vmem>>
    %dma_wait3A_427 = tpu.memref_slice %arg3[%add3A_421] : memref<320000xi32, #tpu.memory_space<hbm>> -> memref<72xi32, #tpu.memory_space<hbm>>
    tpu.wait_dma2 semaphore(%arg19 : memref<!tpu.dma_semaphore, #tpu.memory_space<semaphore_mem>>) src(%dma_wait3A_427 : memref<72xi32, #tpu.memory_space<hbm>>) dst(%dma_wait3A_426 : memref<72xi32, #tpu.memory_space<vmem>>)
    %dma_start3A_428 = arith.constant 0 : i32
    %dma_start3A_429 = arith.constant 0 : i32
    %dma_start3A_430 = tpu.memref_slice %arg14[%dma_start3A_428, %dma_start3A_429] : memref<72x128xf32, #tpu.memory_space<vmem>> -> memref<72x128xf32, #tpu.memory_space<vmem>>
    %dma_start3A_431 = arith.constant 0 : i32
    %dma_start3A_432 = tpu.memref_slice %arg9[%dma_start3A_431] : memref<72xi32, #tpu.memory_space<vmem>> -> memref<72xi32, #tpu.memory_space<vmem>>
    %dma_start3A_433 = arith.constant 0 : i32
    %dma_start3A_434 = arith.constant 0 : i32
    %dma_start3A_435 = tpu.memref_slice %arg5[%dma_start3A_433, %dma_start3A_434] : memref<10000x128xf32, #tpu.memory_space<vmem_shared>> -> memref<10000x128xf32, #tpu.memory_space<vmem_shared>>
    tpu.enqueue_indirect_dma source(%dma_start3A_435 : memref<10000x128xf32, #tpu.memory_space<vmem_shared>>) target(%dma_start3A_430 : memref<72x128xf32, #tpu.memory_space<vmem>>) offsets(%dma_start3A_432 : memref<72xi32, #tpu.memory_space<vmem>>) semaphore(%arg24 : memref<!tpu.dma_semaphore, #tpu.memory_space<semaphore_mem>>)
    %scan3A = arith.constant 0 : i32
    %scan3A_436 = arith.constant 25 : i32
    %scan3A_437 = arith.addi %scan3A, %scan3A_436 : i32
    %scan3A_438 = arith.constant 1 : i32
    scf.for %scan3A_796 = %scan3A to %scan3A_437 step %scan3A_438  : i32 {
      %mul3A_797 = arith.constant 5 : i32
      %mul3A_798 = arith.muli %mul3A_797, %scan3A_796 : i32
      %add3A_799 = arith.constant 7 : i32
      %add3A_800 = arith.addi %mul3A_798, %add3A_799 : i32
      %add3A_801 = arith.constant 0 : i32
      %add3A_802 = arith.addi %add3A_800, %add3A_801 : i32
      %dma_wait3A_803 = arith.constant 0 : i32
      %dma_wait3A_804 = arith.constant 0 : i32
      %dma_wait3A_805 = tpu.memref_slice %arg13[%dma_wait3A_803, %dma_wait3A_804] : memref<72x128xf32, #tpu.memory_space<vmem>> -> memref<72x128xf32, #tpu.memory_space<vmem>>
      %dma_wait3A_806 = arith.constant 0 : i32
      %dma_wait3A_807 = tpu.memref_slice %arg8[%dma_wait3A_806] : memref<72xi32, #tpu.memory_space<vmem>> -> memref<72xi32, #tpu.memory_space<vmem>>
      %dma_wait3A_808 = arith.constant 0 : i32
      %dma_wait3A_809 = arith.constant 0 : i32
      %dma_wait3A_810 = tpu.memref_slice %arg5[%dma_wait3A_808, %dma_wait3A_809] : memref<10000x128xf32, #tpu.memory_space<vmem_shared>> -> memref<10000x128xf32, #tpu.memory_space<vmem_shared>>
      tpu.wait_indirect_dma semaphore(%arg23 : memref<!tpu.dma_semaphore, #tpu.memory_space<semaphore_mem>>) src(%dma_wait3A_810 : memref<10000x128xf32, #tpu.memory_space<vmem_shared>>) dst(%dma_wait3A_805 : memref<72x128xf32, #tpu.memory_space<vmem>>)
      %add3A_811 = arith.constant 5 : i32
      %add3A_812 = arith.addi %add3A_802, %add3A_811 : i32
      %mul3A_813 = arith.constant 72 : i32
      %mul3A_814 = arith.muli %add3A_812, %mul3A_813 : i32
      %add3A_815 = arith.addi %mul3A_2, %mul3A_814 : i32
      %dma_start3A_816 = arith.constant 0 : i32
      %dma_start3A_817 = tpu.memref_slice %arg8[%dma_start3A_816] : memref<72xi32, #tpu.memory_space<vmem>> -> memref<72xi32, #tpu.memory_space<vmem>>
      %dma_start3A_818 = tpu.memref_slice %arg3[%add3A_815] : memref<320000xi32, #tpu.memory_space<hbm>> -> memref<72xi32, #tpu.memory_space<hbm>>
      %dma_start3A_819 = arith.constant 0 : i32
      %dma_start3A_820 = tpu.memref_slice %arg8[%dma_start3A_819] : memref<72xi32, #tpu.memory_space<vmem>> -> memref<72xi32, #tpu.memory_space<vmem>>
      %dma_start3A_821 = tpu.memref_slice %arg3[%add3A_815] : memref<320000xi32, #tpu.memory_space<hbm>> -> memref<72xi32, #tpu.memory_space<hbm>>
      tpu.enqueue_dma source(%dma_start3A_821 : memref<72xi32, #tpu.memory_space<hbm>>) target(%dma_start3A_820 : memref<72xi32, #tpu.memory_space<vmem>>) target_semaphore(%arg18 : memref<!tpu.dma_semaphore, #tpu.memory_space<semaphore_mem>>)
      %mul3A_822 = arith.constant 72 : i32
      %mul3A_823 = arith.muli %add3A_802, %mul3A_822 : i32
      %add3A_824 = arith.addi %mul3A_2, %mul3A_823 : i32
      %dma_start3A_825 = arith.constant 0 : i32
      %dma_start3A_826 = arith.constant 0 : i32
      %dma_start3A_827 = tpu.memref_slice %arg13[%dma_start3A_825, %dma_start3A_826] : memref<72x128xf32, #tpu.memory_space<vmem>> -> memref<72x128xf32, #tpu.memory_space<vmem>>
      %dma_start3A_828 = arith.constant 0 : i32
      %dma_start3A_829 = tpu.memref_slice %arg4[%add3A_824, %dma_start3A_828] : memref<320000x128xf32, #tpu.memory_space<hbm>> -> memref<72x128xf32, #tpu.memory_space<hbm>>
      %dma_start3A_830 = arith.constant 0 : i32
      %dma_start3A_831 = tpu.memref_slice %arg4[%add3A_824, %dma_start3A_830] : memref<320000x128xf32, #tpu.memory_space<hbm>> -> memref<72x128xf32, #tpu.memory_space<hbm>>
      %dma_start3A_832 = arith.constant 0 : i32
      %dma_start3A_833 = arith.constant 0 : i32
      %dma_start3A_834 = tpu.memref_slice %arg13[%dma_start3A_832, %dma_start3A_833] : memref<72x128xf32, #tpu.memory_space<vmem>> -> memref<72x128xf32, #tpu.memory_space<vmem>>
      tpu.enqueue_dma source(%dma_start3A_834 : memref<72x128xf32, #tpu.memory_space<vmem>>) target(%dma_start3A_831 : memref<72x128xf32, #tpu.memory_space<hbm>>) target_semaphore(%arg28 : memref<!tpu.dma_semaphore, #tpu.memory_space<semaphore_mem>>)
      %sub3A = arith.constant 3 : i32
      %sub3A_835 = arith.subi %add3A_802, %sub3A : i32
      %mul3A_836 = arith.constant 72 : i32
      %mul3A_837 = arith.muli %sub3A_835, %mul3A_836 : i32
      %add3A_838 = arith.addi %mul3A_2, %mul3A_837 : i32
      %dma_wait3A_839 = arith.constant 0 : i32
      %dma_wait3A_840 = arith.constant 0 : i32
      %dma_wait3A_841 = tpu.memref_slice %arg15[%dma_wait3A_839, %dma_wait3A_840] : memref<72x128xf32, #tpu.memory_space<vmem>> -> memref<72x128xf32, #tpu.memory_space<vmem>>
      %dma_wait3A_842 = arith.constant 0 : i32
      %dma_wait3A_843 = tpu.memref_slice %arg4[%add3A_838, %dma_wait3A_842] : memref<320000x128xf32, #tpu.memory_space<hbm>> -> memref<72x128xf32, #tpu.memory_space<hbm>>
      %dma_wait3A_844 = arith.constant 0 : i32
      %dma_wait3A_845 = tpu.memref_slice %arg4[%add3A_838, %dma_wait3A_844] : memref<320000x128xf32, #tpu.memory_space<hbm>> -> memref<72x128xf32, #tpu.memory_space<hbm>>
      %dma_wait3A_846 = arith.constant 0 : i32
      %dma_wait3A_847 = arith.constant 0 : i32
      %dma_wait3A_848 = tpu.memref_slice %arg15[%dma_wait3A_846, %dma_wait3A_847] : memref<72x128xf32, #tpu.memory_space<vmem>> -> memref<72x128xf32, #tpu.memory_space<vmem>>
      tpu.wait_dma2 semaphore(%arg30 : memref<!tpu.dma_semaphore, #tpu.memory_space<semaphore_mem>>) src(%dma_wait3A_848 : memref<72x128xf32, #tpu.memory_space<vmem>>) dst(%dma_wait3A_845 : memref<72x128xf32, #tpu.memory_space<hbm>>)
      %add3A_849 = arith.constant 2 : i32
      %add3A_850 = arith.addi %add3A_802, %add3A_849 : i32
      %mul3A_851 = arith.constant 72 : i32
      %mul3A_852 = arith.muli %add3A_850, %mul3A_851 : i32
      %add3A_853 = arith.addi %mul3A_2, %mul3A_852 : i32
      %dma_wait3A_854 = arith.constant 0 : i32
      %dma_wait3A_855 = tpu.memref_slice %arg10[%dma_wait3A_854] : memref<72xi32, #tpu.memory_space<vmem>> -> memref<72xi32, #tpu.memory_space<vmem>>
      %dma_wait3A_856 = tpu.memref_slice %arg3[%add3A_853] : memref<320000xi32, #tpu.memory_space<hbm>> -> memref<72xi32, #tpu.memory_space<hbm>>
      %dma_wait3A_857 = arith.constant 0 : i32
      %dma_wait3A_858 = tpu.memref_slice %arg10[%dma_wait3A_857] : memref<72xi32, #tpu.memory_space<vmem>> -> memref<72xi32, #tpu.memory_space<vmem>>
      %dma_wait3A_859 = tpu.memref_slice %arg3[%add3A_853] : memref<320000xi32, #tpu.memory_space<hbm>> -> memref<72xi32, #tpu.memory_space<hbm>>
      tpu.wait_dma2 semaphore(%arg20 : memref<!tpu.dma_semaphore, #tpu.memory_space<semaphore_mem>>) src(%dma_wait3A_859 : memref<72xi32, #tpu.memory_space<hbm>>) dst(%dma_wait3A_858 : memref<72xi32, #tpu.memory_space<vmem>>)
      %dma_start3A_860 = arith.constant 0 : i32
      %dma_start3A_861 = arith.constant 0 : i32
      %dma_start3A_862 = tpu.memref_slice %arg15[%dma_start3A_860, %dma_start3A_861] : memref<72x128xf32, #tpu.memory_space<vmem>> -> memref<72x128xf32, #tpu.memory_space<vmem>>
      %dma_start3A_863 = arith.constant 0 : i32
      %dma_start3A_864 = tpu.memref_slice %arg10[%dma_start3A_863] : memref<72xi32, #tpu.memory_space<vmem>> -> memref<72xi32, #tpu.memory_space<vmem>>
      %dma_start3A_865 = arith.constant 0 : i32
      %dma_start3A_866 = arith.constant 0 : i32
      %dma_start3A_867 = tpu.memref_slice %arg5[%dma_start3A_865, %dma_start3A_866] : memref<10000x128xf32, #tpu.memory_space<vmem_shared>> -> memref<10000x128xf32, #tpu.memory_space<vmem_shared>>
      tpu.enqueue_indirect_dma source(%dma_start3A_867 : memref<10000x128xf32, #tpu.memory_space<vmem_shared>>) target(%dma_start3A_862 : memref<72x128xf32, #tpu.memory_space<vmem>>) offsets(%dma_start3A_864 : memref<72xi32, #tpu.memory_space<vmem>>) semaphore(%arg25 : memref<!tpu.dma_semaphore, #tpu.memory_space<semaphore_mem>>)
      %add3A_868 = arith.constant 1 : i32
      %add3A_869 = arith.addi %add3A_800, %add3A_868 : i32
      %dma_wait3A_870 = arith.constant 0 : i32
      %dma_wait3A_871 = arith.constant 0 : i32
      %dma_wait3A_872 = tpu.memref_slice %arg14[%dma_wait3A_870, %dma_wait3A_871] : memref<72x128xf32, #tpu.memory_space<vmem>> -> memref<72x128xf32, #tpu.memory_space<vmem>>
      %dma_wait3A_873 = arith.constant 0 : i32
      %dma_wait3A_874 = tpu.memref_slice %arg9[%dma_wait3A_873] : memref<72xi32, #tpu.memory_space<vmem>> -> memref<72xi32, #tpu.memory_space<vmem>>
      %dma_wait3A_875 = arith.constant 0 : i32
      %dma_wait3A_876 = arith.constant 0 : i32
      %dma_wait3A_877 = tpu.memref_slice %arg5[%dma_wait3A_875, %dma_wait3A_876] : memref<10000x128xf32, #tpu.memory_space<vmem_shared>> -> memref<10000x128xf32, #tpu.memory_space<vmem_shared>>
      tpu.wait_indirect_dma semaphore(%arg24 : memref<!tpu.dma_semaphore, #tpu.memory_space<semaphore_mem>>) src(%dma_wait3A_877 : memref<10000x128xf32, #tpu.memory_space<vmem_shared>>) dst(%dma_wait3A_872 : memref<72x128xf32, #tpu.memory_space<vmem>>)
      %add3A_878 = arith.constant 5 : i32
      %add3A_879 = arith.addi %add3A_869, %add3A_878 : i32
      %mul3A_880 = arith.constant 72 : i32
      %mul3A_881 = arith.muli %add3A_879, %mul3A_880 : i32
      %add3A_882 = arith.addi %mul3A_2, %mul3A_881 : i32
      %dma_start3A_883 = arith.constant 0 : i32
      %dma_start3A_884 = tpu.memref_slice %arg9[%dma_start3A_883] : memref<72xi32, #tpu.memory_space<vmem>> -> memref<72xi32, #tpu.memory_space<vmem>>
      %dma_start3A_885 = tpu.memref_slice %arg3[%add3A_882] : memref<320000xi32, #tpu.memory_space<hbm>> -> memref<72xi32, #tpu.memory_space<hbm>>
      %dma_start3A_886 = arith.constant 0 : i32
      %dma_start3A_887 = tpu.memref_slice %arg9[%dma_start3A_886] : memref<72xi32, #tpu.memory_space<vmem>> -> memref<72xi32, #tpu.memory_space<vmem>>
      %dma_start3A_888 = tpu.memref_slice %arg3[%add3A_882] : memref<320000xi32, #tpu.memory_space<hbm>> -> memref<72xi32, #tpu.memory_space<hbm>>
      tpu.enqueue_dma source(%dma_start3A_888 : memref<72xi32, #tpu.memory_space<hbm>>) target(%dma_start3A_887 : memref<72xi32, #tpu.memory_space<vmem>>) target_semaphore(%arg19 : memref<!tpu.dma_semaphore, #tpu.memory_space<semaphore_mem>>)
      %mul3A_889 = arith.constant 72 : i32
      %mul3A_890 = arith.muli %add3A_869, %mul3A_889 : i32
      %add3A_891 = arith.addi %mul3A_2, %mul3A_890 : i32
      %dma_start3A_892 = arith.constant 0 : i32
      %dma_start3A_893 = arith.constant 0 : i32
      %dma_start3A_894 = tpu.memref_slice %arg14[%dma_start3A_892, %dma_start3A_893] : memref<72x128xf32, #tpu.memory_space<vmem>> -> memref<72x128xf32, #tpu.memory_space<vmem>>
      %dma_start3A_895 = arith.constant 0 : i32
      %dma_start3A_896 = tpu.memref_slice %arg4[%add3A_891, %dma_start3A_895] : memref<320000x128xf32, #tpu.memory_space<hbm>> -> memref<72x128xf32, #tpu.memory_space<hbm>>
      %dma_start3A_897 = arith.constant 0 : i32
      %dma_start3A_898 = tpu.memref_slice %arg4[%add3A_891, %dma_start3A_897] : memref<320000x128xf32, #tpu.memory_space<hbm>> -> memref<72x128xf32, #tpu.memory_space<hbm>>
      %dma_start3A_899 = arith.constant 0 : i32
      %dma_start3A_900 = arith.constant 0 : i32
      %dma_start3A_901 = tpu.memref_slice %arg14[%dma_start3A_899, %dma_start3A_900] : memref<72x128xf32, #tpu.memory_space<vmem>> -> memref<72x128xf32, #tpu.memory_space<vmem>>
      tpu.enqueue_dma source(%dma_start3A_901 : memref<72x128xf32, #tpu.memory_space<vmem>>) target(%dma_start3A_898 : memref<72x128xf32, #tpu.memory_space<hbm>>) target_semaphore(%arg29 : memref<!tpu.dma_semaphore, #tpu.memory_space<semaphore_mem>>)
      %sub3A_902 = arith.constant 3 : i32
      %sub3A_903 = arith.subi %add3A_869, %sub3A_902 : i32
      %mul3A_904 = arith.constant 72 : i32
      %mul3A_905 = arith.muli %sub3A_903, %mul3A_904 : i32
      %add3A_906 = arith.addi %mul3A_2, %mul3A_905 : i32
      %dma_wait3A_907 = arith.constant 0 : i32
      %dma_wait3A_908 = arith.constant 0 : i32
      %dma_wait3A_909 = tpu.memref_slice %arg11[%dma_wait3A_907, %dma_wait3A_908] : memref<72x128xf32, #tpu.memory_space<vmem>> -> memref<72x128xf32, #tpu.memory_space<vmem>>
      %dma_wait3A_910 = arith.constant 0 : i32
      %dma_wait3A_911 = tpu.memref_slice %arg4[%add3A_906, %dma_wait3A_910] : memref<320000x128xf32, #tpu.memory_space<hbm>> -> memref<72x128xf32, #tpu.memory_space<hbm>>
      %dma_wait3A_912 = arith.constant 0 : i32
      %dma_wait3A_913 = tpu.memref_slice %arg4[%add3A_906, %dma_wait3A_912] : memref<320000x128xf32, #tpu.memory_space<hbm>> -> memref<72x128xf32, #tpu.memory_space<hbm>>
      %dma_wait3A_914 = arith.constant 0 : i32
      %dma_wait3A_915 = arith.constant 0 : i32
      %dma_wait3A_916 = tpu.memref_slice %arg11[%dma_wait3A_914, %dma_wait3A_915] : memref<72x128xf32, #tpu.memory_space<vmem>> -> memref<72x128xf32, #tpu.memory_space<vmem>>
      tpu.wait_dma2 semaphore(%arg26 : memref<!tpu.dma_semaphore, #tpu.memory_space<semaphore_mem>>) src(%dma_wait3A_916 : memref<72x128xf32, #tpu.memory_space<vmem>>) dst(%dma_wait3A_913 : memref<72x128xf32, #tpu.memory_space<hbm>>)
      %add3A_917 = arith.constant 2 : i32
      %add3A_918 = arith.addi %add3A_869, %add3A_917 : i32
      %mul3A_919 = arith.constant 72 : i32
      %mul3A_920 = arith.muli %add3A_918, %mul3A_919 : i32
      %add3A_921 = arith.addi %mul3A_2, %mul3A_920 : i32
      %dma_wait3A_922 = arith.constant 0 : i32
      %dma_wait3A_923 = tpu.memref_slice %arg6[%dma_wait3A_922] : memref<72xi32, #tpu.memory_space<vmem>> -> memref<72xi32, #tpu.memory_space<vmem>>
      %dma_wait3A_924 = tpu.memref_slice %arg3[%add3A_921] : memref<320000xi32, #tpu.memory_space<hbm>> -> memref<72xi32, #tpu.memory_space<hbm>>
      %dma_wait3A_925 = arith.constant 0 : i32
      %dma_wait3A_926 = tpu.memref_slice %arg6[%dma_wait3A_925] : memref<72xi32, #tpu.memory_space<vmem>> -> memref<72xi32, #tpu.memory_space<vmem>>
      %dma_wait3A_927 = tpu.memref_slice %arg3[%add3A_921] : memref<320000xi32, #tpu.memory_space<hbm>> -> memref<72xi32, #tpu.memory_space<hbm>>
      tpu.wait_dma2 semaphore(%arg16 : memref<!tpu.dma_semaphore, #tpu.memory_space<semaphore_mem>>) src(%dma_wait3A_927 : memref<72xi32, #tpu.memory_space<hbm>>) dst(%dma_wait3A_926 : memref<72xi32, #tpu.memory_space<vmem>>)
      %dma_start3A_928 = arith.constant 0 : i32
      %dma_start3A_929 = arith.constant 0 : i32
      %dma_start3A_930 = tpu.memref_slice %arg11[%dma_start3A_928, %dma_start3A_929] : memref<72x128xf32, #tpu.memory_space<vmem>> -> memref<72x128xf32, #tpu.memory_space<vmem>>
      %dma_start3A_931 = arith.constant 0 : i32
      %dma_start3A_932 = tpu.memref_slice %arg6[%dma_start3A_931] : memref<72xi32, #tpu.memory_space<vmem>> -> memref<72xi32, #tpu.memory_space<vmem>>
      %dma_start3A_933 = arith.constant 0 : i32
      %dma_start3A_934 = arith.constant 0 : i32
      %dma_start3A_935 = tpu.memref_slice %arg5[%dma_start3A_933, %dma_start3A_934] : memref<10000x128xf32, #tpu.memory_space<vmem_shared>> -> memref<10000x128xf32, #tpu.memory_space<vmem_shared>>
      tpu.enqueue_indirect_dma source(%dma_start3A_935 : memref<10000x128xf32, #tpu.memory_space<vmem_shared>>) target(%dma_start3A_930 : memref<72x128xf32, #tpu.memory_space<vmem>>) offsets(%dma_start3A_932 : memref<72xi32, #tpu.memory_space<vmem>>) semaphore(%arg21 : memref<!tpu.dma_semaphore, #tpu.memory_space<semaphore_mem>>)
      %add3A_936 = arith.constant 2 : i32
      %add3A_937 = arith.addi %add3A_800, %add3A_936 : i32
      %dma_wait3A_938 = arith.constant 0 : i32
      %dma_wait3A_939 = arith.constant 0 : i32
      %dma_wait3A_940 = tpu.memref_slice %arg15[%dma_wait3A_938, %dma_wait3A_939] : memref<72x128xf32, #tpu.memory_space<vmem>> -> memref<72x128xf32, #tpu.memory_space<vmem>>
      %dma_wait3A_941 = arith.constant 0 : i32
      %dma_wait3A_942 = tpu.memref_slice %arg10[%dma_wait3A_941] : memref<72xi32, #tpu.memory_space<vmem>> -> memref<72xi32, #tpu.memory_space<vmem>>
      %dma_wait3A_943 = arith.constant 0 : i32
      %dma_wait3A_944 = arith.constant 0 : i32
      %dma_wait3A_945 = tpu.memref_slice %arg5[%dma_wait3A_943, %dma_wait3A_944] : memref<10000x128xf32, #tpu.memory_space<vmem_shared>> -> memref<10000x128xf32, #tpu.memory_space<vmem_shared>>
      tpu.wait_indirect_dma semaphore(%arg25 : memref<!tpu.dma_semaphore, #tpu.memory_space<semaphore_mem>>) src(%dma_wait3A_945 : memref<10000x128xf32, #tpu.memory_space<vmem_shared>>) dst(%dma_wait3A_940 : memref<72x128xf32, #tpu.memory_space<vmem>>)
      %add3A_946 = arith.constant 5 : i32
      %add3A_947 = arith.addi %add3A_937, %add3A_946 : i32
      %mul3A_948 = arith.constant 72 : i32
      %mul3A_949 = arith.muli %add3A_947, %mul3A_948 : i32
      %add3A_950 = arith.addi %mul3A_2, %mul3A_949 : i32
      %dma_start3A_951 = arith.constant 0 : i32
      %dma_start3A_952 = tpu.memref_slice %arg10[%dma_start3A_951] : memref<72xi32, #tpu.memory_space<vmem>> -> memref<72xi32, #tpu.memory_space<vmem>>
      %dma_start3A_953 = tpu.memref_slice %arg3[%add3A_950] : memref<320000xi32, #tpu.memory_space<hbm>> -> memref<72xi32, #tpu.memory_space<hbm>>
      %dma_start3A_954 = arith.constant 0 : i32
      %dma_start3A_955 = tpu.memref_slice %arg10[%dma_start3A_954] : memref<72xi32, #tpu.memory_space<vmem>> -> memref<72xi32, #tpu.memory_space<vmem>>
      %dma_start3A_956 = tpu.memref_slice %arg3[%add3A_950] : memref<320000xi32, #tpu.memory_space<hbm>> -> memref<72xi32, #tpu.memory_space<hbm>>
      tpu.enqueue_dma source(%dma_start3A_956 : memref<72xi32, #tpu.memory_space<hbm>>) target(%dma_start3A_955 : memref<72xi32, #tpu.memory_space<vmem>>) target_semaphore(%arg20 : memref<!tpu.dma_semaphore, #tpu.memory_space<semaphore_mem>>)
      %mul3A_957 = arith.constant 72 : i32
      %mul3A_958 = arith.muli %add3A_937, %mul3A_957 : i32
      %add3A_959 = arith.addi %mul3A_2, %mul3A_958 : i32
      %dma_start3A_960 = arith.constant 0 : i32
      %dma_start3A_961 = arith.constant 0 : i32
      %dma_start3A_962 = tpu.memref_slice %arg15[%dma_start3A_960, %dma_start3A_961] : memref<72x128xf32, #tpu.memory_space<vmem>> -> memref<72x128xf32, #tpu.memory_space<vmem>>
      %dma_start3A_963 = arith.constant 0 : i32
      %dma_start3A_964 = tpu.memref_slice %arg4[%add3A_959, %dma_start3A_963] : memref<320000x128xf32, #tpu.memory_space<hbm>> -> memref<72x128xf32, #tpu.memory_space<hbm>>
      %dma_start3A_965 = arith.constant 0 : i32
      %dma_start3A_966 = tpu.memref_slice %arg4[%add3A_959, %dma_start3A_965] : memref<320000x128xf32, #tpu.memory_space<hbm>> -> memref<72x128xf32, #tpu.memory_space<hbm>>
      %dma_start3A_967 = arith.constant 0 : i32
      %dma_start3A_968 = arith.constant 0 : i32
      %dma_start3A_969 = tpu.memref_slice %arg15[%dma_start3A_967, %dma_start3A_968] : memref<72x128xf32, #tpu.memory_space<vmem>> -> memref<72x128xf32, #tpu.memory_space<vmem>>
      tpu.enqueue_dma source(%dma_start3A_969 : memref<72x128xf32, #tpu.memory_space<vmem>>) target(%dma_start3A_966 : memref<72x128xf32, #tpu.memory_space<hbm>>) target_semaphore(%arg30 : memref<!tpu.dma_semaphore, #tpu.memory_space<semaphore_mem>>)
      %sub3A_970 = arith.constant 3 : i32
      %sub3A_971 = arith.subi %add3A_937, %sub3A_970 : i32
      %mul3A_972 = arith.constant 72 : i32
      %mul3A_973 = arith.muli %sub3A_971, %mul3A_972 : i32
      %add3A_974 = arith.addi %mul3A_2, %mul3A_973 : i32
      %dma_wait3A_975 = arith.constant 0 : i32
      %dma_wait3A_976 = arith.constant 0 : i32
      %dma_wait3A_977 = tpu.memref_slice %arg12[%dma_wait3A_975, %dma_wait3A_976] : memref<72x128xf32, #tpu.memory_space<vmem>> -> memref<72x128xf32, #tpu.memory_space<vmem>>
      %dma_wait3A_978 = arith.constant 0 : i32
      %dma_wait3A_979 = tpu.memref_slice %arg4[%add3A_974, %dma_wait3A_978] : memref<320000x128xf32, #tpu.memory_space<hbm>> -> memref<72x128xf32, #tpu.memory_space<hbm>>
      %dma_wait3A_980 = arith.constant 0 : i32
      %dma_wait3A_981 = tpu.memref_slice %arg4[%add3A_974, %dma_wait3A_980] : memref<320000x128xf32, #tpu.memory_space<hbm>> -> memref<72x128xf32, #tpu.memory_space<hbm>>
      %dma_wait3A_982 = arith.constant 0 : i32
      %dma_wait3A_983 = arith.constant 0 : i32
      %dma_wait3A_984 = tpu.memref_slice %arg12[%dma_wait3A_982, %dma_wait3A_983] : memref<72x128xf32, #tpu.memory_space<vmem>> -> memref<72x128xf32, #tpu.memory_space<vmem>>
      tpu.wait_dma2 semaphore(%arg27 : memref<!tpu.dma_semaphore, #tpu.memory_space<semaphore_mem>>) src(%dma_wait3A_984 : memref<72x128xf32, #tpu.memory_space<vmem>>) dst(%dma_wait3A_981 : memref<72x128xf32, #tpu.memory_space<hbm>>)
      %add3A_985 = arith.constant 2 : i32
      %add3A_986 = arith.addi %add3A_937, %add3A_985 : i32
      %mul3A_987 = arith.constant 72 : i32
      %mul3A_988 = arith.muli %add3A_986, %mul3A_987 : i32
      %add3A_989 = arith.addi %mul3A_2, %mul3A_988 : i32
      %dma_wait3A_990 = arith.constant 0 : i32
      %dma_wait3A_991 = tpu.memref_slice %arg7[%dma_wait3A_990] : memref<72xi32, #tpu.memory_space<vmem>> -> memref<72xi32, #tpu.memory_space<vmem>>
      %dma_wait3A_992 = tpu.memref_slice %arg3[%add3A_989] : memref<320000xi32, #tpu.memory_space<hbm>> -> memref<72xi32, #tpu.memory_space<hbm>>
      %dma_wait3A_993 = arith.constant 0 : i32
      %dma_wait3A_994 = tpu.memref_slice %arg7[%dma_wait3A_993] : memref<72xi32, #tpu.memory_space<vmem>> -> memref<72xi32, #tpu.memory_space<vmem>>
      %dma_wait3A_995 = tpu.memref_slice %arg3[%add3A_989] : memref<320000xi32, #tpu.memory_space<hbm>> -> memref<72xi32, #tpu.memory_space<hbm>>
      tpu.wait_dma2 semaphore(%arg17 : memref<!tpu.dma_semaphore, #tpu.memory_space<semaphore_mem>>) src(%dma_wait3A_995 : memref<72xi32, #tpu.memory_space<hbm>>) dst(%dma_wait3A_994 : memref<72xi32, #tpu.memory_space<vmem>>)
      %dma_start3A_996 = arith.constant 0 : i32
      %dma_start3A_997 = arith.constant 0 : i32
      %dma_start3A_998 = tpu.memref_slice %arg12[%dma_start3A_996, %dma_start3A_997] : memref<72x128xf32, #tpu.memory_space<vmem>> -> memref<72x128xf32, #tpu.memory_space<vmem>>
      %dma_start3A_999 = arith.constant 0 : i32
      %dma_start3A_1000 = tpu.memref_slice %arg7[%dma_start3A_999] : memref<72xi32, #tpu.memory_space<vmem>> -> memref<72xi32, #tpu.memory_space<vmem>>
      %dma_start3A_1001 = arith.constant 0 : i32
      %dma_start3A_1002 = arith.constant 0 : i32
      %dma_start3A_1003 = tpu.memref_slice %arg5[%dma_start3A_1001, %dma_start3A_1002] : memref<10000x128xf32, #tpu.memory_space<vmem_shared>> -> memref<10000x128xf32, #tpu.memory_space<vmem_shared>>
      tpu.enqueue_indirect_dma source(%dma_start3A_1003 : memref<10000x128xf32, #tpu.memory_space<vmem_shared>>) target(%dma_start3A_998 : memref<72x128xf32, #tpu.memory_space<vmem>>) offsets(%dma_start3A_1000 : memref<72xi32, #tpu.memory_space<vmem>>) semaphore(%arg22 : memref<!tpu.dma_semaphore, #tpu.memory_space<semaphore_mem>>)
      %add3A_1004 = arith.constant 3 : i32
      %add3A_1005 = arith.addi %add3A_800, %add3A_1004 : i32
      %dma_wait3A_1006 = arith.constant 0 : i32
      %dma_wait3A_1007 = arith.constant 0 : i32
      %dma_wait3A_1008 = tpu.memref_slice %arg11[%dma_wait3A_1006, %dma_wait3A_1007] : memref<72x128xf32, #tpu.memory_space<vmem>> -> memref<72x128xf32, #tpu.memory_space<vmem>>
      %dma_wait3A_1009 = arith.constant 0 : i32
      %dma_wait3A_1010 = tpu.memref_slice %arg6[%dma_wait3A_1009] : memref<72xi32, #tpu.memory_space<vmem>> -> memref<72xi32, #tpu.memory_space<vmem>>
      %dma_wait3A_1011 = arith.constant 0 : i32
      %dma_wait3A_1012 = arith.constant 0 : i32
      %dma_wait3A_1013 = tpu.memref_slice %arg5[%dma_wait3A_1011, %dma_wait3A_1012] : memref<10000x128xf32, #tpu.memory_space<vmem_shared>> -> memref<10000x128xf32, #tpu.memory_space<vmem_shared>>
      tpu.wait_indirect_dma semaphore(%arg21 : memref<!tpu.dma_semaphore, #tpu.memory_space<semaphore_mem>>) src(%dma_wait3A_1013 : memref<10000x128xf32, #tpu.memory_space<vmem_shared>>) dst(%dma_wait3A_1008 : memref<72x128xf32, #tpu.memory_space<vmem>>)
      %add3A_1014 = arith.constant 5 : i32
      %add3A_1015 = arith.addi %add3A_1005, %add3A_1014 : i32
      %mul3A_1016 = arith.constant 72 : i32
      %mul3A_1017 = arith.muli %add3A_1015, %mul3A_1016 : i32
      %add3A_1018 = arith.addi %mul3A_2, %mul3A_1017 : i32
      %dma_start3A_1019 = arith.constant 0 : i32
      %dma_start3A_1020 = tpu.memref_slice %arg6[%dma_start3A_1019] : memref<72xi32, #tpu.memory_space<vmem>> -> memref<72xi32, #tpu.memory_space<vmem>>
      %dma_start3A_1021 = tpu.memref_slice %arg3[%add3A_1018] : memref<320000xi32, #tpu.memory_space<hbm>> -> memref<72xi32, #tpu.memory_space<hbm>>
      %dma_start3A_1022 = arith.constant 0 : i32
      %dma_start3A_1023 = tpu.memref_slice %arg6[%dma_start3A_1022] : memref<72xi32, #tpu.memory_space<vmem>> -> memref<72xi32, #tpu.memory_space<vmem>>
      %dma_start3A_1024 = tpu.memref_slice %arg3[%add3A_1018] : memref<320000xi32, #tpu.memory_space<hbm>> -> memref<72xi32, #tpu.memory_space<hbm>>
      tpu.enqueue_dma source(%dma_start3A_1024 : memref<72xi32, #tpu.memory_space<hbm>>) target(%dma_start3A_1023 : memref<72xi32, #tpu.memory_space<vmem>>) target_semaphore(%arg16 : memref<!tpu.dma_semaphore, #tpu.memory_space<semaphore_mem>>)
      %mul3A_1025 = arith.constant 72 : i32
      %mul3A_1026 = arith.muli %add3A_1005, %mul3A_1025 : i32
      %add3A_1027 = arith.addi %mul3A_2, %mul3A_1026 : i32
      %dma_start3A_1028 = arith.constant 0 : i32
      %dma_start3A_1029 = arith.constant 0 : i32
      %dma_start3A_1030 = tpu.memref_slice %arg11[%dma_start3A_1028, %dma_start3A_1029] : memref<72x128xf32, #tpu.memory_space<vmem>> -> memref<72x128xf32, #tpu.memory_space<vmem>>
      %dma_start3A_1031 = arith.constant 0 : i32
      %dma_start3A_1032 = tpu.memref_slice %arg4[%add3A_1027, %dma_start3A_1031] : memref<320000x128xf32, #tpu.memory_space<hbm>> -> memref<72x128xf32, #tpu.memory_space<hbm>>
      %dma_start3A_1033 = arith.constant 0 : i32
      %dma_start3A_1034 = tpu.memref_slice %arg4[%add3A_1027, %dma_start3A_1033] : memref<320000x128xf32, #tpu.memory_space<hbm>> -> memref<72x128xf32, #tpu.memory_space<hbm>>
      %dma_start3A_1035 = arith.constant 0 : i32
      %dma_start3A_1036 = arith.constant 0 : i32
      %dma_start3A_1037 = tpu.memref_slice %arg11[%dma_start3A_1035, %dma_start3A_1036] : memref<72x128xf32, #tpu.memory_space<vmem>> -> memref<72x128xf32, #tpu.memory_space<vmem>>
      tpu.enqueue_dma source(%dma_start3A_1037 : memref<72x128xf32, #tpu.memory_space<vmem>>) target(%dma_start3A_1034 : memref<72x128xf32, #tpu.memory_space<hbm>>) target_semaphore(%arg26 : memref<!tpu.dma_semaphore, #tpu.memory_space<semaphore_mem>>)
      %sub3A_1038 = arith.constant 3 : i32
      %sub3A_1039 = arith.subi %add3A_1005, %sub3A_1038 : i32
      %mul3A_1040 = arith.constant 72 : i32
      %mul3A_1041 = arith.muli %sub3A_1039, %mul3A_1040 : i32
      %add3A_1042 = arith.addi %mul3A_2, %mul3A_1041 : i32
      %dma_wait3A_1043 = arith.constant 0 : i32
      %dma_wait3A_1044 = arith.constant 0 : i32
      %dma_wait3A_1045 = tpu.memref_slice %arg13[%dma_wait3A_1043, %dma_wait3A_1044] : memref<72x128xf32, #tpu.memory_space<vmem>> -> memref<72x128xf32, #tpu.memory_space<vmem>>
      %dma_wait3A_1046 = arith.constant 0 : i32
      %dma_wait3A_1047 = tpu.memref_slice %arg4[%add3A_1042, %dma_wait3A_1046] : memref<320000x128xf32, #tpu.memory_space<hbm>> -> memref<72x128xf32, #tpu.memory_space<hbm>>
      %dma_wait3A_1048 = arith.constant 0 : i32
      %dma_wait3A_1049 = tpu.memref_slice %arg4[%add3A_1042, %dma_wait3A_1048] : memref<320000x128xf32, #tpu.memory_space<hbm>> -> memref<72x128xf32, #tpu.memory_space<hbm>>
      %dma_wait3A_1050 = arith.constant 0 : i32
      %dma_wait3A_1051 = arith.constant 0 : i32
      %dma_wait3A_1052 = tpu.memref_slice %arg13[%dma_wait3A_1050, %dma_wait3A_1051] : memref<72x128xf32, #tpu.memory_space<vmem>> -> memref<72x128xf32, #tpu.memory_space<vmem>>
      tpu.wait_dma2 semaphore(%arg28 : memref<!tpu.dma_semaphore, #tpu.memory_space<semaphore_mem>>) src(%dma_wait3A_1052 : memref<72x128xf32, #tpu.memory_space<vmem>>) dst(%dma_wait3A_1049 : memref<72x128xf32, #tpu.memory_space<hbm>>)
      %add3A_1053 = arith.constant 2 : i32
      %add3A_1054 = arith.addi %add3A_1005, %add3A_1053 : i32
      %mul3A_1055 = arith.constant 72 : i32
      %mul3A_1056 = arith.muli %add3A_1054, %mul3A_1055 : i32
      %add3A_1057 = arith.addi %mul3A_2, %mul3A_1056 : i32
      %dma_wait3A_1058 = arith.constant 0 : i32
      %dma_wait3A_1059 = tpu.memref_slice %arg8[%dma_wait3A_1058] : memref<72xi32, #tpu.memory_space<vmem>> -> memref<72xi32, #tpu.memory_space<vmem>>
      %dma_wait3A_1060 = tpu.memref_slice %arg3[%add3A_1057] : memref<320000xi32, #tpu.memory_space<hbm>> -> memref<72xi32, #tpu.memory_space<hbm>>
      %dma_wait3A_1061 = arith.constant 0 : i32
      %dma_wait3A_1062 = tpu.memref_slice %arg8[%dma_wait3A_1061] : memref<72xi32, #tpu.memory_space<vmem>> -> memref<72xi32, #tpu.memory_space<vmem>>
      %dma_wait3A_1063 = tpu.memref_slice %arg3[%add3A_1057] : memref<320000xi32, #tpu.memory_space<hbm>> -> memref<72xi32, #tpu.memory_space<hbm>>
      tpu.wait_dma2 semaphore(%arg18 : memref<!tpu.dma_semaphore, #tpu.memory_space<semaphore_mem>>) src(%dma_wait3A_1063 : memref<72xi32, #tpu.memory_space<hbm>>) dst(%dma_wait3A_1062 : memref<72xi32, #tpu.memory_space<vmem>>)
      %dma_start3A_1064 = arith.constant 0 : i32
      %dma_start3A_1065 = arith.constant 0 : i32
      %dma_start3A_1066 = tpu.memref_slice %arg13[%dma_start3A_1064, %dma_start3A_1065] : memref<72x128xf32, #tpu.memory_space<vmem>> -> memref<72x128xf32, #tpu.memory_space<vmem>>
      %dma_start3A_1067 = arith.constant 0 : i32
      %dma_start3A_1068 = tpu.memref_slice %arg8[%dma_start3A_1067] : memref<72xi32, #tpu.memory_space<vmem>> -> memref<72xi32, #tpu.memory_space<vmem>>
      %dma_start3A_1069 = arith.constant 0 : i32
      %dma_start3A_1070 = arith.constant 0 : i32
      %dma_start3A_1071 = tpu.memref_slice %arg5[%dma_start3A_1069, %dma_start3A_1070] : memref<10000x128xf32, #tpu.memory_space<vmem_shared>> -> memref<10000x128xf32, #tpu.memory_space<vmem_shared>>
      tpu.enqueue_indirect_dma source(%dma_start3A_1071 : memref<10000x128xf32, #tpu.memory_space<vmem_shared>>) target(%dma_start3A_1066 : memref<72x128xf32, #tpu.memory_space<vmem>>) offsets(%dma_start3A_1068 : memref<72xi32, #tpu.memory_space<vmem>>) semaphore(%arg23 : memref<!tpu.dma_semaphore, #tpu.memory_space<semaphore_mem>>)
      %add3A_1072 = arith.constant 4 : i32
      %add3A_1073 = arith.addi %add3A_800, %add3A_1072 : i32
      %dma_wait3A_1074 = arith.constant 0 : i32
      %dma_wait3A_1075 = arith.constant 0 : i32
      %dma_wait3A_1076 = tpu.memref_slice %arg12[%dma_wait3A_1074, %dma_wait3A_1075] : memref<72x128xf32, #tpu.memory_space<vmem>> -> memref<72x128xf32, #tpu.memory_space<vmem>>
      %dma_wait3A_1077 = arith.constant 0 : i32
      %dma_wait3A_1078 = tpu.memref_slice %arg7[%dma_wait3A_1077] : memref<72xi32, #tpu.memory_space<vmem>> -> memref<72xi32, #tpu.memory_space<vmem>>
      %dma_wait3A_1079 = arith.constant 0 : i32
      %dma_wait3A_1080 = arith.constant 0 : i32
      %dma_wait3A_1081 = tpu.memref_slice %arg5[%dma_wait3A_1079, %dma_wait3A_1080] : memref<10000x128xf32, #tpu.memory_space<vmem_shared>> -> memref<10000x128xf32, #tpu.memory_space<vmem_shared>>
      tpu.wait_indirect_dma semaphore(%arg22 : memref<!tpu.dma_semaphore, #tpu.memory_space<semaphore_mem>>) src(%dma_wait3A_1081 : memref<10000x128xf32, #tpu.memory_space<vmem_shared>>) dst(%dma_wait3A_1076 : memref<72x128xf32, #tpu.memory_space<vmem>>)
      %add3A_1082 = arith.constant 5 : i32
      %add3A_1083 = arith.addi %add3A_1073, %add3A_1082 : i32
      %mul3A_1084 = arith.constant 72 : i32
      %mul3A_1085 = arith.muli %add3A_1083, %mul3A_1084 : i32
      %add3A_1086 = arith.addi %mul3A_2, %mul3A_1085 : i32
      %dma_start3A_1087 = arith.constant 0 : i32
      %dma_start3A_1088 = tpu.memref_slice %arg7[%dma_start3A_1087] : memref<72xi32, #tpu.memory_space<vmem>> -> memref<72xi32, #tpu.memory_space<vmem>>
      %dma_start3A_1089 = tpu.memref_slice %arg3[%add3A_1086] : memref<320000xi32, #tpu.memory_space<hbm>> -> memref<72xi32, #tpu.memory_space<hbm>>
      %dma_start3A_1090 = arith.constant 0 : i32
      %dma_start3A_1091 = tpu.memref_slice %arg7[%dma_start3A_1090] : memref<72xi32, #tpu.memory_space<vmem>> -> memref<72xi32, #tpu.memory_space<vmem>>
      %dma_start3A_1092 = tpu.memref_slice %arg3[%add3A_1086] : memref<320000xi32, #tpu.memory_space<hbm>> -> memref<72xi32, #tpu.memory_space<hbm>>
      tpu.enqueue_dma source(%dma_start3A_1092 : memref<72xi32, #tpu.memory_space<hbm>>) target(%dma_start3A_1091 : memref<72xi32, #tpu.memory_space<vmem>>) target_semaphore(%arg17 : memref<!tpu.dma_semaphore, #tpu.memory_space<semaphore_mem>>)
      %mul3A_1093 = arith.constant 72 : i32
      %mul3A_1094 = arith.muli %add3A_1073, %mul3A_1093 : i32
      %add3A_1095 = arith.addi %mul3A_2, %mul3A_1094 : i32
      %dma_start3A_1096 = arith.constant 0 : i32
      %dma_start3A_1097 = arith.constant 0 : i32
      %dma_start3A_1098 = tpu.memref_slice %arg12[%dma_start3A_1096, %dma_start3A_1097] : memref<72x128xf32, #tpu.memory_space<vmem>> -> memref<72x128xf32, #tpu.memory_space<vmem>>
      %dma_start3A_1099 = arith.constant 0 : i32
      %dma_start3A_1100 = tpu.memref_slice %arg4[%add3A_1095, %dma_start3A_1099] : memref<320000x128xf32, #tpu.memory_space<hbm>> -> memref<72x128xf32, #tpu.memory_space<hbm>>
      %dma_start3A_1101 = arith.constant 0 : i32
      %dma_start3A_1102 = tpu.memref_slice %arg4[%add3A_1095, %dma_start3A_1101] : memref<320000x128xf32, #tpu.memory_space<hbm>> -> memref<72x128xf32, #tpu.memory_space<hbm>>
      %dma_start3A_1103 = arith.constant 0 : i32
      %dma_start3A_1104 = arith.constant 0 : i32
      %dma_start3A_1105 = tpu.memref_slice %arg12[%dma_start3A_1103, %dma_start3A_1104] : memref<72x128xf32, #tpu.memory_space<vmem>> -> memref<72x128xf32, #tpu.memory_space<vmem>>
      tpu.enqueue_dma source(%dma_start3A_1105 : memref<72x128xf32, #tpu.memory_space<vmem>>) target(%dma_start3A_1102 : memref<72x128xf32, #tpu.memory_space<hbm>>) target_semaphore(%arg27 : memref<!tpu.dma_semaphore, #tpu.memory_space<semaphore_mem>>)
      %sub3A_1106 = arith.constant 3 : i32
      %sub3A_1107 = arith.subi %add3A_1073, %sub3A_1106 : i32
      %mul3A_1108 = arith.constant 72 : i32
      %mul3A_1109 = arith.muli %sub3A_1107, %mul3A_1108 : i32
      %add3A_1110 = arith.addi %mul3A_2, %mul3A_1109 : i32
      %dma_wait3A_1111 = arith.constant 0 : i32
      %dma_wait3A_1112 = arith.constant 0 : i32
      %dma_wait3A_1113 = tpu.memref_slice %arg14[%dma_wait3A_1111, %dma_wait3A_1112] : memref<72x128xf32, #tpu.memory_space<vmem>> -> memref<72x128xf32, #tpu.memory_space<vmem>>
      %dma_wait3A_1114 = arith.constant 0 : i32
      %dma_wait3A_1115 = tpu.memref_slice %arg4[%add3A_1110, %dma_wait3A_1114] : memref<320000x128xf32, #tpu.memory_space<hbm>> -> memref<72x128xf32, #tpu.memory_space<hbm>>
      %dma_wait3A_1116 = arith.constant 0 : i32
      %dma_wait3A_1117 = tpu.memref_slice %arg4[%add3A_1110, %dma_wait3A_1116] : memref<320000x128xf32, #tpu.memory_space<hbm>> -> memref<72x128xf32, #tpu.memory_space<hbm>>
      %dma_wait3A_1118 = arith.constant 0 : i32
      %dma_wait3A_1119 = arith.constant 0 : i32
      %dma_wait3A_1120 = tpu.memref_slice %arg14[%dma_wait3A_1118, %dma_wait3A_1119] : memref<72x128xf32, #tpu.memory_space<vmem>> -> memref<72x128xf32, #tpu.memory_space<vmem>>
      tpu.wait_dma2 semaphore(%arg29 : memref<!tpu.dma_semaphore, #tpu.memory_space<semaphore_mem>>) src(%dma_wait3A_1120 : memref<72x128xf32, #tpu.memory_space<vmem>>) dst(%dma_wait3A_1117 : memref<72x128xf32, #tpu.memory_space<hbm>>)
      %add3A_1121 = arith.constant 2 : i32
      %add3A_1122 = arith.addi %add3A_1073, %add3A_1121 : i32
      %mul3A_1123 = arith.constant 72 : i32
      %mul3A_1124 = arith.muli %add3A_1122, %mul3A_1123 : i32
      %add3A_1125 = arith.addi %mul3A_2, %mul3A_1124 : i32
      %dma_wait3A_1126 = arith.constant 0 : i32
      %dma_wait3A_1127 = tpu.memref_slice %arg9[%dma_wait3A_1126] : memref<72xi32, #tpu.memory_space<vmem>> -> memref<72xi32, #tpu.memory_space<vmem>>
      %dma_wait3A_1128 = tpu.memref_slice %arg3[%add3A_1125] : memref<320000xi32, #tpu.memory_space<hbm>> -> memref<72xi32, #tpu.memory_space<hbm>>
      %dma_wait3A_1129 = arith.constant 0 : i32
      %dma_wait3A_1130 = tpu.memref_slice %arg9[%dma_wait3A_1129] : memref<72xi32, #tpu.memory_space<vmem>> -> memref<72xi32, #tpu.memory_space<vmem>>
      %dma_wait3A_1131 = tpu.memref_slice %arg3[%add3A_1125] : memref<320000xi32, #tpu.memory_space<hbm>> -> memref<72xi32, #tpu.memory_space<hbm>>
      tpu.wait_dma2 semaphore(%arg19 : memref<!tpu.dma_semaphore, #tpu.memory_space<semaphore_mem>>) src(%dma_wait3A_1131 : memref<72xi32, #tpu.memory_space<hbm>>) dst(%dma_wait3A_1130 : memref<72xi32, #tpu.memory_space<vmem>>)
      %dma_start3A_1132 = arith.constant 0 : i32
      %dma_start3A_1133 = arith.constant 0 : i32
      %dma_start3A_1134 = tpu.memref_slice %arg14[%dma_start3A_1132, %dma_start3A_1133] : memref<72x128xf32, #tpu.memory_space<vmem>> -> memref<72x128xf32, #tpu.memory_space<vmem>>
      %dma_start3A_1135 = arith.constant 0 : i32
      %dma_start3A_1136 = tpu.memref_slice %arg9[%dma_start3A_1135] : memref<72xi32, #tpu.memory_space<vmem>> -> memref<72xi32, #tpu.memory_space<vmem>>
      %dma_start3A_1137 = arith.constant 0 : i32
      %dma_start3A_1138 = arith.constant 0 : i32
      %dma_start3A_1139 = tpu.memref_slice %arg5[%dma_start3A_1137, %dma_start3A_1138] : memref<10000x128xf32, #tpu.memory_space<vmem_shared>> -> memref<10000x128xf32, #tpu.memory_space<vmem_shared>>
      tpu.enqueue_indirect_dma source(%dma_start3A_1139 : memref<10000x128xf32, #tpu.memory_space<vmem_shared>>) target(%dma_start3A_1134 : memref<72x128xf32, #tpu.memory_space<vmem>>) offsets(%dma_start3A_1136 : memref<72xi32, #tpu.memory_space<vmem>>) semaphore(%arg24 : memref<!tpu.dma_semaphore, #tpu.memory_space<semaphore_mem>>)
    }
    %scan3A_439 = arith.constant 25 : i32
    %dma_wait3A_440 = arith.constant 0 : i32
    %dma_wait3A_441 = arith.constant 0 : i32
    %dma_wait3A_442 = tpu.memref_slice %arg13[%dma_wait3A_440, %dma_wait3A_441] : memref<72x128xf32, #tpu.memory_space<vmem>> -> memref<72x128xf32, #tpu.memory_space<vmem>>
    %dma_wait3A_443 = arith.constant 0 : i32
    %dma_wait3A_444 = tpu.memref_slice %arg8[%dma_wait3A_443] : memref<72xi32, #tpu.memory_space<vmem>> -> memref<72xi32, #tpu.memory_space<vmem>>
    %dma_wait3A_445 = arith.constant 0 : i32
    %dma_wait3A_446 = arith.constant 0 : i32
    %dma_wait3A_447 = tpu.memref_slice %arg5[%dma_wait3A_445, %dma_wait3A_446] : memref<10000x128xf32, #tpu.memory_space<vmem_shared>> -> memref<10000x128xf32, #tpu.memory_space<vmem_shared>>
    tpu.wait_indirect_dma semaphore(%arg23 : memref<!tpu.dma_semaphore, #tpu.memory_space<semaphore_mem>>) src(%dma_wait3A_447 : memref<10000x128xf32, #tpu.memory_space<vmem_shared>>) dst(%dma_wait3A_442 : memref<72x128xf32, #tpu.memory_space<vmem>>)
    %add3A_448 = arith.constant 9864 : i32
    %add3A_449 = arith.addi %mul3A_2, %add3A_448 : i32
    %dma_start3A_450 = arith.constant 0 : i32
    %dma_start3A_451 = tpu.memref_slice %arg8[%dma_start3A_450] : memref<72xi32, #tpu.memory_space<vmem>> -> memref<72xi32, #tpu.memory_space<vmem>>
    %dma_start3A_452 = tpu.memref_slice %arg3[%add3A_449] : memref<320000xi32, #tpu.memory_space<hbm>> -> memref<72xi32, #tpu.memory_space<hbm>>
    %dma_start3A_453 = arith.constant 0 : i32
    %dma_start3A_454 = tpu.memref_slice %arg8[%dma_start3A_453] : memref<72xi32, #tpu.memory_space<vmem>> -> memref<72xi32, #tpu.memory_space<vmem>>
    %dma_start3A_455 = tpu.memref_slice %arg3[%add3A_449] : memref<320000xi32, #tpu.memory_space<hbm>> -> memref<72xi32, #tpu.memory_space<hbm>>
    tpu.enqueue_dma source(%dma_start3A_455 : memref<72xi32, #tpu.memory_space<hbm>>) target(%dma_start3A_454 : memref<72xi32, #tpu.memory_space<vmem>>) target_semaphore(%arg18 : memref<!tpu.dma_semaphore, #tpu.memory_space<semaphore_mem>>)
    %add3A_456 = arith.constant 9504 : i32
    %add3A_457 = arith.addi %mul3A_2, %add3A_456 : i32
    %dma_start3A_458 = arith.constant 0 : i32
    %dma_start3A_459 = arith.constant 0 : i32
    %dma_start3A_460 = tpu.memref_slice %arg13[%dma_start3A_458, %dma_start3A_459] : memref<72x128xf32, #tpu.memory_space<vmem>> -> memref<72x128xf32, #tpu.memory_space<vmem>>
    %dma_start3A_461 = arith.constant 0 : i32
    %dma_start3A_462 = tpu.memref_slice %arg4[%add3A_457, %dma_start3A_461] : memref<320000x128xf32, #tpu.memory_space<hbm>> -> memref<72x128xf32, #tpu.memory_space<hbm>>
    %dma_start3A_463 = arith.constant 0 : i32
    %dma_start3A_464 = tpu.memref_slice %arg4[%add3A_457, %dma_start3A_463] : memref<320000x128xf32, #tpu.memory_space<hbm>> -> memref<72x128xf32, #tpu.memory_space<hbm>>
    %dma_start3A_465 = arith.constant 0 : i32
    %dma_start3A_466 = arith.constant 0 : i32
    %dma_start3A_467 = tpu.memref_slice %arg13[%dma_start3A_465, %dma_start3A_466] : memref<72x128xf32, #tpu.memory_space<vmem>> -> memref<72x128xf32, #tpu.memory_space<vmem>>
    tpu.enqueue_dma source(%dma_start3A_467 : memref<72x128xf32, #tpu.memory_space<vmem>>) target(%dma_start3A_464 : memref<72x128xf32, #tpu.memory_space<hbm>>) target_semaphore(%arg28 : memref<!tpu.dma_semaphore, #tpu.memory_space<semaphore_mem>>)
    %add3A_468 = arith.constant 9288 : i32
    %add3A_469 = arith.addi %mul3A_2, %add3A_468 : i32
    %dma_wait3A_470 = arith.constant 0 : i32
    %dma_wait3A_471 = arith.constant 0 : i32
    %dma_wait3A_472 = tpu.memref_slice %arg15[%dma_wait3A_470, %dma_wait3A_471] : memref<72x128xf32, #tpu.memory_space<vmem>> -> memref<72x128xf32, #tpu.memory_space<vmem>>
    %dma_wait3A_473 = arith.constant 0 : i32
    %dma_wait3A_474 = tpu.memref_slice %arg4[%add3A_469, %dma_wait3A_473] : memref<320000x128xf32, #tpu.memory_space<hbm>> -> memref<72x128xf32, #tpu.memory_space<hbm>>
    %dma_wait3A_475 = arith.constant 0 : i32
    %dma_wait3A_476 = tpu.memref_slice %arg4[%add3A_469, %dma_wait3A_475] : memref<320000x128xf32, #tpu.memory_space<hbm>> -> memref<72x128xf32, #tpu.memory_space<hbm>>
    %dma_wait3A_477 = arith.constant 0 : i32
    %dma_wait3A_478 = arith.constant 0 : i32
    %dma_wait3A_479 = tpu.memref_slice %arg15[%dma_wait3A_477, %dma_wait3A_478] : memref<72x128xf32, #tpu.memory_space<vmem>> -> memref<72x128xf32, #tpu.memory_space<vmem>>
    tpu.wait_dma2 semaphore(%arg30 : memref<!tpu.dma_semaphore, #tpu.memory_space<semaphore_mem>>) src(%dma_wait3A_479 : memref<72x128xf32, #tpu.memory_space<vmem>>) dst(%dma_wait3A_476 : memref<72x128xf32, #tpu.memory_space<hbm>>)
    %add3A_480 = arith.constant 9648 : i32
    %add3A_481 = arith.addi %mul3A_2, %add3A_480 : i32
    %dma_wait3A_482 = arith.constant 0 : i32
    %dma_wait3A_483 = tpu.memref_slice %arg10[%dma_wait3A_482] : memref<72xi32, #tpu.memory_space<vmem>> -> memref<72xi32, #tpu.memory_space<vmem>>
    %dma_wait3A_484 = tpu.memref_slice %arg3[%add3A_481] : memref<320000xi32, #tpu.memory_space<hbm>> -> memref<72xi32, #tpu.memory_space<hbm>>
    %dma_wait3A_485 = arith.constant 0 : i32
    %dma_wait3A_486 = tpu.memref_slice %arg10[%dma_wait3A_485] : memref<72xi32, #tpu.memory_space<vmem>> -> memref<72xi32, #tpu.memory_space<vmem>>
    %dma_wait3A_487 = tpu.memref_slice %arg3[%add3A_481] : memref<320000xi32, #tpu.memory_space<hbm>> -> memref<72xi32, #tpu.memory_space<hbm>>
    tpu.wait_dma2 semaphore(%arg20 : memref<!tpu.dma_semaphore, #tpu.memory_space<semaphore_mem>>) src(%dma_wait3A_487 : memref<72xi32, #tpu.memory_space<hbm>>) dst(%dma_wait3A_486 : memref<72xi32, #tpu.memory_space<vmem>>)
    %dma_start3A_488 = arith.constant 0 : i32
    %dma_start3A_489 = arith.constant 0 : i32
    %dma_start3A_490 = tpu.memref_slice %arg15[%dma_start3A_488, %dma_start3A_489] : memref<72x128xf32, #tpu.memory_space<vmem>> -> memref<72x128xf32, #tpu.memory_space<vmem>>
    %dma_start3A_491 = arith.constant 0 : i32
    %dma_start3A_492 = tpu.memref_slice %arg10[%dma_start3A_491] : memref<72xi32, #tpu.memory_space<vmem>> -> memref<72xi32, #tpu.memory_space<vmem>>
    %dma_start3A_493 = arith.constant 0 : i32
    %dma_start3A_494 = arith.constant 0 : i32
    %dma_start3A_495 = tpu.memref_slice %arg5[%dma_start3A_493, %dma_start3A_494] : memref<10000x128xf32, #tpu.memory_space<vmem_shared>> -> memref<10000x128xf32, #tpu.memory_space<vmem_shared>>
    tpu.enqueue_indirect_dma source(%dma_start3A_495 : memref<10000x128xf32, #tpu.memory_space<vmem_shared>>) target(%dma_start3A_490 : memref<72x128xf32, #tpu.memory_space<vmem>>) offsets(%dma_start3A_492 : memref<72xi32, #tpu.memory_space<vmem>>) semaphore(%arg25 : memref<!tpu.dma_semaphore, #tpu.memory_space<semaphore_mem>>)
    %dma_wait3A_496 = arith.constant 0 : i32
    %dma_wait3A_497 = arith.constant 0 : i32
    %dma_wait3A_498 = tpu.memref_slice %arg14[%dma_wait3A_496, %dma_wait3A_497] : memref<72x128xf32, #tpu.memory_space<vmem>> -> memref<72x128xf32, #tpu.memory_space<vmem>>
    %dma_wait3A_499 = arith.constant 0 : i32
    %dma_wait3A_500 = tpu.memref_slice %arg9[%dma_wait3A_499] : memref<72xi32, #tpu.memory_space<vmem>> -> memref<72xi32, #tpu.memory_space<vmem>>
    %dma_wait3A_501 = arith.constant 0 : i32
    %dma_wait3A_502 = arith.constant 0 : i32
    %dma_wait3A_503 = tpu.memref_slice %arg5[%dma_wait3A_501, %dma_wait3A_502] : memref<10000x128xf32, #tpu.memory_space<vmem_shared>> -> memref<10000x128xf32, #tpu.memory_space<vmem_shared>>
    tpu.wait_indirect_dma semaphore(%arg24 : memref<!tpu.dma_semaphore, #tpu.memory_space<semaphore_mem>>) src(%dma_wait3A_503 : memref<10000x128xf32, #tpu.memory_space<vmem_shared>>) dst(%dma_wait3A_498 : memref<72x128xf32, #tpu.memory_space<vmem>>)
    %add3A_504 = arith.constant 9936 : i32
    %add3A_505 = arith.addi %mul3A_2, %add3A_504 : i32
    %dma_start3A_506 = arith.constant 0 : i32
    %dma_start3A_507 = tpu.memref_slice %arg9[%dma_start3A_506] : memref<72xi32, #tpu.memory_space<vmem>> -> memref<64xi32, #tpu.memory_space<vmem>>
    %dma_start3A_508 = tpu.memref_slice %arg3[%add3A_505] : memref<320000xi32, #tpu.memory_space<hbm>> -> memref<64xi32, #tpu.memory_space<hbm>>
    %dma_start3A_509 = arith.constant 0 : i32
    %dma_start3A_510 = tpu.memref_slice %arg9[%dma_start3A_509] : memref<72xi32, #tpu.memory_space<vmem>> -> memref<64xi32, #tpu.memory_space<vmem>>
    %dma_start3A_511 = tpu.memref_slice %arg3[%add3A_505] : memref<320000xi32, #tpu.memory_space<hbm>> -> memref<64xi32, #tpu.memory_space<hbm>>
    tpu.enqueue_dma source(%dma_start3A_511 : memref<64xi32, #tpu.memory_space<hbm>>) target(%dma_start3A_510 : memref<64xi32, #tpu.memory_space<vmem>>) target_semaphore(%arg19 : memref<!tpu.dma_semaphore, #tpu.memory_space<semaphore_mem>>)
    %add3A_512 = arith.constant 9576 : i32
    %add3A_513 = arith.addi %mul3A_2, %add3A_512 : i32
    %dma_start3A_514 = arith.constant 0 : i32
    %dma_start3A_515 = arith.constant 0 : i32
    %dma_start3A_516 = tpu.memref_slice %arg14[%dma_start3A_514, %dma_start3A_515] : memref<72x128xf32, #tpu.memory_space<vmem>> -> memref<72x128xf32, #tpu.memory_space<vmem>>
    %dma_start3A_517 = arith.constant 0 : i32
    %dma_start3A_518 = tpu.memref_slice %arg4[%add3A_513, %dma_start3A_517] : memref<320000x128xf32, #tpu.memory_space<hbm>> -> memref<72x128xf32, #tpu.memory_space<hbm>>
    %dma_start3A_519 = arith.constant 0 : i32
    %dma_start3A_520 = tpu.memref_slice %arg4[%add3A_513, %dma_start3A_519] : memref<320000x128xf32, #tpu.memory_space<hbm>> -> memref<72x128xf32, #tpu.memory_space<hbm>>
    %dma_start3A_521 = arith.constant 0 : i32
    %dma_start3A_522 = arith.constant 0 : i32
    %dma_start3A_523 = tpu.memref_slice %arg14[%dma_start3A_521, %dma_start3A_522] : memref<72x128xf32, #tpu.memory_space<vmem>> -> memref<72x128xf32, #tpu.memory_space<vmem>>
    tpu.enqueue_dma source(%dma_start3A_523 : memref<72x128xf32, #tpu.memory_space<vmem>>) target(%dma_start3A_520 : memref<72x128xf32, #tpu.memory_space<hbm>>) target_semaphore(%arg29 : memref<!tpu.dma_semaphore, #tpu.memory_space<semaphore_mem>>)
    %add3A_524 = arith.constant 9360 : i32
    %add3A_525 = arith.addi %mul3A_2, %add3A_524 : i32
    %dma_wait3A_526 = arith.constant 0 : i32
    %dma_wait3A_527 = arith.constant 0 : i32
    %dma_wait3A_528 = tpu.memref_slice %arg11[%dma_wait3A_526, %dma_wait3A_527] : memref<72x128xf32, #tpu.memory_space<vmem>> -> memref<72x128xf32, #tpu.memory_space<vmem>>
    %dma_wait3A_529 = arith.constant 0 : i32
    %dma_wait3A_530 = tpu.memref_slice %arg4[%add3A_525, %dma_wait3A_529] : memref<320000x128xf32, #tpu.memory_space<hbm>> -> memref<72x128xf32, #tpu.memory_space<hbm>>
    %dma_wait3A_531 = arith.constant 0 : i32
    %dma_wait3A_532 = tpu.memref_slice %arg4[%add3A_525, %dma_wait3A_531] : memref<320000x128xf32, #tpu.memory_space<hbm>> -> memref<72x128xf32, #tpu.memory_space<hbm>>
    %dma_wait3A_533 = arith.constant 0 : i32
    %dma_wait3A_534 = arith.constant 0 : i32
    %dma_wait3A_535 = tpu.memref_slice %arg11[%dma_wait3A_533, %dma_wait3A_534] : memref<72x128xf32, #tpu.memory_space<vmem>> -> memref<72x128xf32, #tpu.memory_space<vmem>>
    tpu.wait_dma2 semaphore(%arg26 : memref<!tpu.dma_semaphore, #tpu.memory_space<semaphore_mem>>) src(%dma_wait3A_535 : memref<72x128xf32, #tpu.memory_space<vmem>>) dst(%dma_wait3A_532 : memref<72x128xf32, #tpu.memory_space<hbm>>)
    %add3A_536 = arith.constant 9720 : i32
    %add3A_537 = arith.addi %mul3A_2, %add3A_536 : i32
    %dma_wait3A_538 = arith.constant 0 : i32
    %dma_wait3A_539 = tpu.memref_slice %arg6[%dma_wait3A_538] : memref<72xi32, #tpu.memory_space<vmem>> -> memref<72xi32, #tpu.memory_space<vmem>>
    %dma_wait3A_540 = tpu.memref_slice %arg3[%add3A_537] : memref<320000xi32, #tpu.memory_space<hbm>> -> memref<72xi32, #tpu.memory_space<hbm>>
    %dma_wait3A_541 = arith.constant 0 : i32
    %dma_wait3A_542 = tpu.memref_slice %arg6[%dma_wait3A_541] : memref<72xi32, #tpu.memory_space<vmem>> -> memref<72xi32, #tpu.memory_space<vmem>>
    %dma_wait3A_543 = tpu.memref_slice %arg3[%add3A_537] : memref<320000xi32, #tpu.memory_space<hbm>> -> memref<72xi32, #tpu.memory_space<hbm>>
    tpu.wait_dma2 semaphore(%arg16 : memref<!tpu.dma_semaphore, #tpu.memory_space<semaphore_mem>>) src(%dma_wait3A_543 : memref<72xi32, #tpu.memory_space<hbm>>) dst(%dma_wait3A_542 : memref<72xi32, #tpu.memory_space<vmem>>)
    %dma_start3A_544 = arith.constant 0 : i32
    %dma_start3A_545 = arith.constant 0 : i32
    %dma_start3A_546 = tpu.memref_slice %arg11[%dma_start3A_544, %dma_start3A_545] : memref<72x128xf32, #tpu.memory_space<vmem>> -> memref<72x128xf32, #tpu.memory_space<vmem>>
    %dma_start3A_547 = arith.constant 0 : i32
    %dma_start3A_548 = tpu.memref_slice %arg6[%dma_start3A_547] : memref<72xi32, #tpu.memory_space<vmem>> -> memref<72xi32, #tpu.memory_space<vmem>>
    %dma_start3A_549 = arith.constant 0 : i32
    %dma_start3A_550 = arith.constant 0 : i32
    %dma_start3A_551 = tpu.memref_slice %arg5[%dma_start3A_549, %dma_start3A_550] : memref<10000x128xf32, #tpu.memory_space<vmem_shared>> -> memref<10000x128xf32, #tpu.memory_space<vmem_shared>>
    tpu.enqueue_indirect_dma source(%dma_start3A_551 : memref<10000x128xf32, #tpu.memory_space<vmem_shared>>) target(%dma_start3A_546 : memref<72x128xf32, #tpu.memory_space<vmem>>) offsets(%dma_start3A_548 : memref<72xi32, #tpu.memory_space<vmem>>) semaphore(%arg21 : memref<!tpu.dma_semaphore, #tpu.memory_space<semaphore_mem>>)
    %dma_wait3A_552 = arith.constant 0 : i32
    %dma_wait3A_553 = arith.constant 0 : i32
    %dma_wait3A_554 = tpu.memref_slice %arg15[%dma_wait3A_552, %dma_wait3A_553] : memref<72x128xf32, #tpu.memory_space<vmem>> -> memref<72x128xf32, #tpu.memory_space<vmem>>
    %dma_wait3A_555 = arith.constant 0 : i32
    %dma_wait3A_556 = tpu.memref_slice %arg10[%dma_wait3A_555] : memref<72xi32, #tpu.memory_space<vmem>> -> memref<72xi32, #tpu.memory_space<vmem>>
    %dma_wait3A_557 = arith.constant 0 : i32
    %dma_wait3A_558 = arith.constant 0 : i32
    %dma_wait3A_559 = tpu.memref_slice %arg5[%dma_wait3A_557, %dma_wait3A_558] : memref<10000x128xf32, #tpu.memory_space<vmem_shared>> -> memref<10000x128xf32, #tpu.memory_space<vmem_shared>>
    tpu.wait_indirect_dma semaphore(%arg25 : memref<!tpu.dma_semaphore, #tpu.memory_space<semaphore_mem>>) src(%dma_wait3A_559 : memref<10000x128xf32, #tpu.memory_space<vmem_shared>>) dst(%dma_wait3A_554 : memref<72x128xf32, #tpu.memory_space<vmem>>)
    %add3A_560 = arith.constant 9648 : i32
    %add3A_561 = arith.addi %mul3A_2, %add3A_560 : i32
    %dma_start3A_562 = arith.constant 0 : i32
    %dma_start3A_563 = arith.constant 0 : i32
    %dma_start3A_564 = tpu.memref_slice %arg15[%dma_start3A_562, %dma_start3A_563] : memref<72x128xf32, #tpu.memory_space<vmem>> -> memref<72x128xf32, #tpu.memory_space<vmem>>
    %dma_start3A_565 = arith.constant 0 : i32
    %dma_start3A_566 = tpu.memref_slice %arg4[%add3A_561, %dma_start3A_565] : memref<320000x128xf32, #tpu.memory_space<hbm>> -> memref<72x128xf32, #tpu.memory_space<hbm>>
    %dma_start3A_567 = arith.constant 0 : i32
    %dma_start3A_568 = tpu.memref_slice %arg4[%add3A_561, %dma_start3A_567] : memref<320000x128xf32, #tpu.memory_space<hbm>> -> memref<72x128xf32, #tpu.memory_space<hbm>>
    %dma_start3A_569 = arith.constant 0 : i32
    %dma_start3A_570 = arith.constant 0 : i32
    %dma_start3A_571 = tpu.memref_slice %arg15[%dma_start3A_569, %dma_start3A_570] : memref<72x128xf32, #tpu.memory_space<vmem>> -> memref<72x128xf32, #tpu.memory_space<vmem>>
    tpu.enqueue_dma source(%dma_start3A_571 : memref<72x128xf32, #tpu.memory_space<vmem>>) target(%dma_start3A_568 : memref<72x128xf32, #tpu.memory_space<hbm>>) target_semaphore(%arg30 : memref<!tpu.dma_semaphore, #tpu.memory_space<semaphore_mem>>)
    %add3A_572 = arith.constant 9432 : i32
    %add3A_573 = arith.addi %mul3A_2, %add3A_572 : i32
    %dma_wait3A_574 = arith.constant 0 : i32
    %dma_wait3A_575 = arith.constant 0 : i32
    %dma_wait3A_576 = tpu.memref_slice %arg12[%dma_wait3A_574, %dma_wait3A_575] : memref<72x128xf32, #tpu.memory_space<vmem>> -> memref<72x128xf32, #tpu.memory_space<vmem>>
    %dma_wait3A_577 = arith.constant 0 : i32
    %dma_wait3A_578 = tpu.memref_slice %arg4[%add3A_573, %dma_wait3A_577] : memref<320000x128xf32, #tpu.memory_space<hbm>> -> memref<72x128xf32, #tpu.memory_space<hbm>>
    %dma_wait3A_579 = arith.constant 0 : i32
    %dma_wait3A_580 = tpu.memref_slice %arg4[%add3A_573, %dma_wait3A_579] : memref<320000x128xf32, #tpu.memory_space<hbm>> -> memref<72x128xf32, #tpu.memory_space<hbm>>
    %dma_wait3A_581 = arith.constant 0 : i32
    %dma_wait3A_582 = arith.constant 0 : i32
    %dma_wait3A_583 = tpu.memref_slice %arg12[%dma_wait3A_581, %dma_wait3A_582] : memref<72x128xf32, #tpu.memory_space<vmem>> -> memref<72x128xf32, #tpu.memory_space<vmem>>
    tpu.wait_dma2 semaphore(%arg27 : memref<!tpu.dma_semaphore, #tpu.memory_space<semaphore_mem>>) src(%dma_wait3A_583 : memref<72x128xf32, #tpu.memory_space<vmem>>) dst(%dma_wait3A_580 : memref<72x128xf32, #tpu.memory_space<hbm>>)
    %add3A_584 = arith.constant 9792 : i32
    %add3A_585 = arith.addi %mul3A_2, %add3A_584 : i32
    %dma_wait3A_586 = arith.constant 0 : i32
    %dma_wait3A_587 = tpu.memref_slice %arg7[%dma_wait3A_586] : memref<72xi32, #tpu.memory_space<vmem>> -> memref<72xi32, #tpu.memory_space<vmem>>
    %dma_wait3A_588 = tpu.memref_slice %arg3[%add3A_585] : memref<320000xi32, #tpu.memory_space<hbm>> -> memref<72xi32, #tpu.memory_space<hbm>>
    %dma_wait3A_589 = arith.constant 0 : i32
    %dma_wait3A_590 = tpu.memref_slice %arg7[%dma_wait3A_589] : memref<72xi32, #tpu.memory_space<vmem>> -> memref<72xi32, #tpu.memory_space<vmem>>
    %dma_wait3A_591 = tpu.memref_slice %arg3[%add3A_585] : memref<320000xi32, #tpu.memory_space<hbm>> -> memref<72xi32, #tpu.memory_space<hbm>>
    tpu.wait_dma2 semaphore(%arg17 : memref<!tpu.dma_semaphore, #tpu.memory_space<semaphore_mem>>) src(%dma_wait3A_591 : memref<72xi32, #tpu.memory_space<hbm>>) dst(%dma_wait3A_590 : memref<72xi32, #tpu.memory_space<vmem>>)
    %dma_start3A_592 = arith.constant 0 : i32
    %dma_start3A_593 = arith.constant 0 : i32
    %dma_start3A_594 = tpu.memref_slice %arg12[%dma_start3A_592, %dma_start3A_593] : memref<72x128xf32, #tpu.memory_space<vmem>> -> memref<72x128xf32, #tpu.memory_space<vmem>>
    %dma_start3A_595 = arith.constant 0 : i32
    %dma_start3A_596 = tpu.memref_slice %arg7[%dma_start3A_595] : memref<72xi32, #tpu.memory_space<vmem>> -> memref<72xi32, #tpu.memory_space<vmem>>
    %dma_start3A_597 = arith.constant 0 : i32
    %dma_start3A_598 = arith.constant 0 : i32
    %dma_start3A_599 = tpu.memref_slice %arg5[%dma_start3A_597, %dma_start3A_598] : memref<10000x128xf32, #tpu.memory_space<vmem_shared>> -> memref<10000x128xf32, #tpu.memory_space<vmem_shared>>
    tpu.enqueue_indirect_dma source(%dma_start3A_599 : memref<10000x128xf32, #tpu.memory_space<vmem_shared>>) target(%dma_start3A_594 : memref<72x128xf32, #tpu.memory_space<vmem>>) offsets(%dma_start3A_596 : memref<72xi32, #tpu.memory_space<vmem>>) semaphore(%arg22 : memref<!tpu.dma_semaphore, #tpu.memory_space<semaphore_mem>>)
    %dma_wait3A_600 = arith.constant 0 : i32
    %dma_wait3A_601 = arith.constant 0 : i32
    %dma_wait3A_602 = tpu.memref_slice %arg11[%dma_wait3A_600, %dma_wait3A_601] : memref<72x128xf32, #tpu.memory_space<vmem>> -> memref<72x128xf32, #tpu.memory_space<vmem>>
    %dma_wait3A_603 = arith.constant 0 : i32
    %dma_wait3A_604 = tpu.memref_slice %arg6[%dma_wait3A_603] : memref<72xi32, #tpu.memory_space<vmem>> -> memref<72xi32, #tpu.memory_space<vmem>>
    %dma_wait3A_605 = arith.constant 0 : i32
    %dma_wait3A_606 = arith.constant 0 : i32
    %dma_wait3A_607 = tpu.memref_slice %arg5[%dma_wait3A_605, %dma_wait3A_606] : memref<10000x128xf32, #tpu.memory_space<vmem_shared>> -> memref<10000x128xf32, #tpu.memory_space<vmem_shared>>
    tpu.wait_indirect_dma semaphore(%arg21 : memref<!tpu.dma_semaphore, #tpu.memory_space<semaphore_mem>>) src(%dma_wait3A_607 : memref<10000x128xf32, #tpu.memory_space<vmem_shared>>) dst(%dma_wait3A_602 : memref<72x128xf32, #tpu.memory_space<vmem>>)
    %add3A_608 = arith.constant 9720 : i32
    %add3A_609 = arith.addi %mul3A_2, %add3A_608 : i32
    %dma_start3A_610 = arith.constant 0 : i32
    %dma_start3A_611 = arith.constant 0 : i32
    %dma_start3A_612 = tpu.memref_slice %arg11[%dma_start3A_610, %dma_start3A_611] : memref<72x128xf32, #tpu.memory_space<vmem>> -> memref<72x128xf32, #tpu.memory_space<vmem>>
    %dma_start3A_613 = arith.constant 0 : i32
    %dma_start3A_614 = tpu.memref_slice %arg4[%add3A_609, %dma_start3A_613] : memref<320000x128xf32, #tpu.memory_space<hbm>> -> memref<72x128xf32, #tpu.memory_space<hbm>>
    %dma_start3A_615 = arith.constant 0 : i32
    %dma_start3A_616 = tpu.memref_slice %arg4[%add3A_609, %dma_start3A_615] : memref<320000x128xf32, #tpu.memory_space<hbm>> -> memref<72x128xf32, #tpu.memory_space<hbm>>
    %dma_start3A_617 = arith.constant 0 : i32
    %dma_start3A_618 = arith.constant 0 : i32
    %dma_start3A_619 = tpu.memref_slice %arg11[%dma_start3A_617, %dma_start3A_618] : memref<72x128xf32, #tpu.memory_space<vmem>> -> memref<72x128xf32, #tpu.memory_space<vmem>>
    tpu.enqueue_dma source(%dma_start3A_619 : memref<72x128xf32, #tpu.memory_space<vmem>>) target(%dma_start3A_616 : memref<72x128xf32, #tpu.memory_space<hbm>>) target_semaphore(%arg26 : memref<!tpu.dma_semaphore, #tpu.memory_space<semaphore_mem>>)
    %add3A_620 = arith.constant 9504 : i32
    %add3A_621 = arith.addi %mul3A_2, %add3A_620 : i32
    %dma_wait3A_622 = arith.constant 0 : i32
    %dma_wait3A_623 = arith.constant 0 : i32
    %dma_wait3A_624 = tpu.memref_slice %arg13[%dma_wait3A_622, %dma_wait3A_623] : memref<72x128xf32, #tpu.memory_space<vmem>> -> memref<72x128xf32, #tpu.memory_space<vmem>>
    %dma_wait3A_625 = arith.constant 0 : i32
    %dma_wait3A_626 = tpu.memref_slice %arg4[%add3A_621, %dma_wait3A_625] : memref<320000x128xf32, #tpu.memory_space<hbm>> -> memref<72x128xf32, #tpu.memory_space<hbm>>
    %dma_wait3A_627 = arith.constant 0 : i32
    %dma_wait3A_628 = tpu.memref_slice %arg4[%add3A_621, %dma_wait3A_627] : memref<320000x128xf32, #tpu.memory_space<hbm>> -> memref<72x128xf32, #tpu.memory_space<hbm>>
    %dma_wait3A_629 = arith.constant 0 : i32
    %dma_wait3A_630 = arith.constant 0 : i32
    %dma_wait3A_631 = tpu.memref_slice %arg13[%dma_wait3A_629, %dma_wait3A_630] : memref<72x128xf32, #tpu.memory_space<vmem>> -> memref<72x128xf32, #tpu.memory_space<vmem>>
    tpu.wait_dma2 semaphore(%arg28 : memref<!tpu.dma_semaphore, #tpu.memory_space<semaphore_mem>>) src(%dma_wait3A_631 : memref<72x128xf32, #tpu.memory_space<vmem>>) dst(%dma_wait3A_628 : memref<72x128xf32, #tpu.memory_space<hbm>>)
    %add3A_632 = arith.constant 9864 : i32
    %add3A_633 = arith.addi %mul3A_2, %add3A_632 : i32
    %dma_wait3A_634 = arith.constant 0 : i32
    %dma_wait3A_635 = tpu.memref_slice %arg8[%dma_wait3A_634] : memref<72xi32, #tpu.memory_space<vmem>> -> memref<72xi32, #tpu.memory_space<vmem>>
    %dma_wait3A_636 = tpu.memref_slice %arg3[%add3A_633] : memref<320000xi32, #tpu.memory_space<hbm>> -> memref<72xi32, #tpu.memory_space<hbm>>
    %dma_wait3A_637 = arith.constant 0 : i32
    %dma_wait3A_638 = tpu.memref_slice %arg8[%dma_wait3A_637] : memref<72xi32, #tpu.memory_space<vmem>> -> memref<72xi32, #tpu.memory_space<vmem>>
    %dma_wait3A_639 = tpu.memref_slice %arg3[%add3A_633] : memref<320000xi32, #tpu.memory_space<hbm>> -> memref<72xi32, #tpu.memory_space<hbm>>
    tpu.wait_dma2 semaphore(%arg18 : memref<!tpu.dma_semaphore, #tpu.memory_space<semaphore_mem>>) src(%dma_wait3A_639 : memref<72xi32, #tpu.memory_space<hbm>>) dst(%dma_wait3A_638 : memref<72xi32, #tpu.memory_space<vmem>>)
    %dma_start3A_640 = arith.constant 0 : i32
    %dma_start3A_641 = arith.constant 0 : i32
    %dma_start3A_642 = tpu.memref_slice %arg13[%dma_start3A_640, %dma_start3A_641] : memref<72x128xf32, #tpu.memory_space<vmem>> -> memref<72x128xf32, #tpu.memory_space<vmem>>
    %dma_start3A_643 = arith.constant 0 : i32
    %dma_start3A_644 = tpu.memref_slice %arg8[%dma_start3A_643] : memref<72xi32, #tpu.memory_space<vmem>> -> memref<72xi32, #tpu.memory_space<vmem>>
    %dma_start3A_645 = arith.constant 0 : i32
    %dma_start3A_646 = arith.constant 0 : i32
    %dma_start3A_647 = tpu.memref_slice %arg5[%dma_start3A_645, %dma_start3A_646] : memref<10000x128xf32, #tpu.memory_space<vmem_shared>> -> memref<10000x128xf32, #tpu.memory_space<vmem_shared>>
    tpu.enqueue_indirect_dma source(%dma_start3A_647 : memref<10000x128xf32, #tpu.memory_space<vmem_shared>>) target(%dma_start3A_642 : memref<72x128xf32, #tpu.memory_space<vmem>>) offsets(%dma_start3A_644 : memref<72xi32, #tpu.memory_space<vmem>>) semaphore(%arg23 : memref<!tpu.dma_semaphore, #tpu.memory_space<semaphore_mem>>)
    %dma_wait3A_648 = arith.constant 0 : i32
    %dma_wait3A_649 = arith.constant 0 : i32
    %dma_wait3A_650 = tpu.memref_slice %arg12[%dma_wait3A_648, %dma_wait3A_649] : memref<72x128xf32, #tpu.memory_space<vmem>> -> memref<72x128xf32, #tpu.memory_space<vmem>>
    %dma_wait3A_651 = arith.constant 0 : i32
    %dma_wait3A_652 = tpu.memref_slice %arg7[%dma_wait3A_651] : memref<72xi32, #tpu.memory_space<vmem>> -> memref<72xi32, #tpu.memory_space<vmem>>
    %dma_wait3A_653 = arith.constant 0 : i32
    %dma_wait3A_654 = arith.constant 0 : i32
    %dma_wait3A_655 = tpu.memref_slice %arg5[%dma_wait3A_653, %dma_wait3A_654] : memref<10000x128xf32, #tpu.memory_space<vmem_shared>> -> memref<10000x128xf32, #tpu.memory_space<vmem_shared>>
    tpu.wait_indirect_dma semaphore(%arg22 : memref<!tpu.dma_semaphore, #tpu.memory_space<semaphore_mem>>) src(%dma_wait3A_655 : memref<10000x128xf32, #tpu.memory_space<vmem_shared>>) dst(%dma_wait3A_650 : memref<72x128xf32, #tpu.memory_space<vmem>>)
    %add3A_656 = arith.constant 9792 : i32
    %add3A_657 = arith.addi %mul3A_2, %add3A_656 : i32
    %dma_start3A_658 = arith.constant 0 : i32
    %dma_start3A_659 = arith.constant 0 : i32
    %dma_start3A_660 = tpu.memref_slice %arg12[%dma_start3A_658, %dma_start3A_659] : memref<72x128xf32, #tpu.memory_space<vmem>> -> memref<72x128xf32, #tpu.memory_space<vmem>>
    %dma_start3A_661 = arith.constant 0 : i32
    %dma_start3A_662 = tpu.memref_slice %arg4[%add3A_657, %dma_start3A_661] : memref<320000x128xf32, #tpu.memory_space<hbm>> -> memref<72x128xf32, #tpu.memory_space<hbm>>
    %dma_start3A_663 = arith.constant 0 : i32
    %dma_start3A_664 = tpu.memref_slice %arg4[%add3A_657, %dma_start3A_663] : memref<320000x128xf32, #tpu.memory_space<hbm>> -> memref<72x128xf32, #tpu.memory_space<hbm>>
    %dma_start3A_665 = arith.constant 0 : i32
    %dma_start3A_666 = arith.constant 0 : i32
    %dma_start3A_667 = tpu.memref_slice %arg12[%dma_start3A_665, %dma_start3A_666] : memref<72x128xf32, #tpu.memory_space<vmem>> -> memref<72x128xf32, #tpu.memory_space<vmem>>
    tpu.enqueue_dma source(%dma_start3A_667 : memref<72x128xf32, #tpu.memory_space<vmem>>) target(%dma_start3A_664 : memref<72x128xf32, #tpu.memory_space<hbm>>) target_semaphore(%arg27 : memref<!tpu.dma_semaphore, #tpu.memory_space<semaphore_mem>>)
    %add3A_668 = arith.constant 9576 : i32
    %add3A_669 = arith.addi %mul3A_2, %add3A_668 : i32
    %dma_wait3A_670 = arith.constant 0 : i32
    %dma_wait3A_671 = arith.constant 0 : i32
    %dma_wait3A_672 = tpu.memref_slice %arg14[%dma_wait3A_670, %dma_wait3A_671] : memref<72x128xf32, #tpu.memory_space<vmem>> -> memref<72x128xf32, #tpu.memory_space<vmem>>
    %dma_wait3A_673 = arith.constant 0 : i32
    %dma_wait3A_674 = tpu.memref_slice %arg4[%add3A_669, %dma_wait3A_673] : memref<320000x128xf32, #tpu.memory_space<hbm>> -> memref<72x128xf32, #tpu.memory_space<hbm>>
    %dma_wait3A_675 = arith.constant 0 : i32
    %dma_wait3A_676 = tpu.memref_slice %arg4[%add3A_669, %dma_wait3A_675] : memref<320000x128xf32, #tpu.memory_space<hbm>> -> memref<72x128xf32, #tpu.memory_space<hbm>>
    %dma_wait3A_677 = arith.constant 0 : i32
    %dma_wait3A_678 = arith.constant 0 : i32
    %dma_wait3A_679 = tpu.memref_slice %arg14[%dma_wait3A_677, %dma_wait3A_678] : memref<72x128xf32, #tpu.memory_space<vmem>> -> memref<72x128xf32, #tpu.memory_space<vmem>>
    tpu.wait_dma2 semaphore(%arg29 : memref<!tpu.dma_semaphore, #tpu.memory_space<semaphore_mem>>) src(%dma_wait3A_679 : memref<72x128xf32, #tpu.memory_space<vmem>>) dst(%dma_wait3A_676 : memref<72x128xf32, #tpu.memory_space<hbm>>)
    %add3A_680 = arith.constant 9936 : i32
    %add3A_681 = arith.addi %mul3A_2, %add3A_680 : i32
    %dma_wait3A_682 = arith.constant 0 : i32
    %dma_wait3A_683 = tpu.memref_slice %arg9[%dma_wait3A_682] : memref<72xi32, #tpu.memory_space<vmem>> -> memref<64xi32, #tpu.memory_space<vmem>>
    %dma_wait3A_684 = tpu.memref_slice %arg3[%add3A_681] : memref<320000xi32, #tpu.memory_space<hbm>> -> memref<64xi32, #tpu.memory_space<hbm>>
    %dma_wait3A_685 = arith.constant 0 : i32
    %dma_wait3A_686 = tpu.memref_slice %arg9[%dma_wait3A_685] : memref<72xi32, #tpu.memory_space<vmem>> -> memref<64xi32, #tpu.memory_space<vmem>>
    %dma_wait3A_687 = tpu.memref_slice %arg3[%add3A_681] : memref<320000xi32, #tpu.memory_space<hbm>> -> memref<64xi32, #tpu.memory_space<hbm>>
    tpu.wait_dma2 semaphore(%arg19 : memref<!tpu.dma_semaphore, #tpu.memory_space<semaphore_mem>>) src(%dma_wait3A_687 : memref<64xi32, #tpu.memory_space<hbm>>) dst(%dma_wait3A_686 : memref<64xi32, #tpu.memory_space<vmem>>)
    %dma_start3A_688 = arith.constant 0 : i32
    %dma_start3A_689 = arith.constant 0 : i32
    %dma_start3A_690 = tpu.memref_slice %arg14[%dma_start3A_688, %dma_start3A_689] : memref<72x128xf32, #tpu.memory_space<vmem>> -> memref<64x128xf32, #tpu.memory_space<vmem>>
    %dma_start3A_691 = arith.constant 0 : i32
    %dma_start3A_692 = tpu.memref_slice %arg9[%dma_start3A_691] : memref<72xi32, #tpu.memory_space<vmem>> -> memref<64xi32, #tpu.memory_space<vmem>>
    %dma_start3A_693 = arith.constant 0 : i32
    %dma_start3A_694 = arith.constant 0 : i32
    %dma_start3A_695 = tpu.memref_slice %arg5[%dma_start3A_693, %dma_start3A_694] : memref<10000x128xf32, #tpu.memory_space<vmem_shared>> -> memref<10000x128xf32, #tpu.memory_space<vmem_shared>>
    tpu.enqueue_indirect_dma source(%dma_start3A_695 : memref<10000x128xf32, #tpu.memory_space<vmem_shared>>) target(%dma_start3A_690 : memref<64x128xf32, #tpu.memory_space<vmem>>) offsets(%dma_start3A_692 : memref<64xi32, #tpu.memory_space<vmem>>) semaphore(%arg24 : memref<!tpu.dma_semaphore, #tpu.memory_space<semaphore_mem>>)
    %dma_wait3A_696 = arith.constant 0 : i32
    %dma_wait3A_697 = arith.constant 0 : i32
    %dma_wait3A_698 = tpu.memref_slice %arg13[%dma_wait3A_696, %dma_wait3A_697] : memref<72x128xf32, #tpu.memory_space<vmem>> -> memref<72x128xf32, #tpu.memory_space<vmem>>
    %dma_wait3A_699 = arith.constant 0 : i32
    %dma_wait3A_700 = tpu.memref_slice %arg8[%dma_wait3A_699] : memref<72xi32, #tpu.memory_space<vmem>> -> memref<72xi32, #tpu.memory_space<vmem>>
    %dma_wait3A_701 = arith.constant 0 : i32
    %dma_wait3A_702 = arith.constant 0 : i32
    %dma_wait3A_703 = tpu.memref_slice %arg5[%dma_wait3A_701, %dma_wait3A_702] : memref<10000x128xf32, #tpu.memory_space<vmem_shared>> -> memref<10000x128xf32, #tpu.memory_space<vmem_shared>>
    tpu.wait_indirect_dma semaphore(%arg23 : memref<!tpu.dma_semaphore, #tpu.memory_space<semaphore_mem>>) src(%dma_wait3A_703 : memref<10000x128xf32, #tpu.memory_space<vmem_shared>>) dst(%dma_wait3A_698 : memref<72x128xf32, #tpu.memory_space<vmem>>)
    %add3A_704 = arith.constant 9864 : i32
    %add3A_705 = arith.addi %mul3A_2, %add3A_704 : i32
    %dma_start3A_706 = arith.constant 0 : i32
    %dma_start3A_707 = arith.constant 0 : i32
    %dma_start3A_708 = tpu.memref_slice %arg13[%dma_start3A_706, %dma_start3A_707] : memref<72x128xf32, #tpu.memory_space<vmem>> -> memref<72x128xf32, #tpu.memory_space<vmem>>
    %dma_start3A_709 = arith.constant 0 : i32
    %dma_start3A_710 = tpu.memref_slice %arg4[%add3A_705, %dma_start3A_709] : memref<320000x128xf32, #tpu.memory_space<hbm>> -> memref<72x128xf32, #tpu.memory_space<hbm>>
    %dma_start3A_711 = arith.constant 0 : i32
    %dma_start3A_712 = tpu.memref_slice %arg4[%add3A_705, %dma_start3A_711] : memref<320000x128xf32, #tpu.memory_space<hbm>> -> memref<72x128xf32, #tpu.memory_space<hbm>>
    %dma_start3A_713 = arith.constant 0 : i32
    %dma_start3A_714 = arith.constant 0 : i32
    %dma_start3A_715 = tpu.memref_slice %arg13[%dma_start3A_713, %dma_start3A_714] : memref<72x128xf32, #tpu.memory_space<vmem>> -> memref<72x128xf32, #tpu.memory_space<vmem>>
    tpu.enqueue_dma source(%dma_start3A_715 : memref<72x128xf32, #tpu.memory_space<vmem>>) target(%dma_start3A_712 : memref<72x128xf32, #tpu.memory_space<hbm>>) target_semaphore(%arg28 : memref<!tpu.dma_semaphore, #tpu.memory_space<semaphore_mem>>)
    %add3A_716 = arith.constant 9648 : i32
    %add3A_717 = arith.addi %mul3A_2, %add3A_716 : i32
    %dma_wait3A_718 = arith.constant 0 : i32
    %dma_wait3A_719 = arith.constant 0 : i32
    %dma_wait3A_720 = tpu.memref_slice %arg15[%dma_wait3A_718, %dma_wait3A_719] : memref<72x128xf32, #tpu.memory_space<vmem>> -> memref<72x128xf32, #tpu.memory_space<vmem>>
    %dma_wait3A_721 = arith.constant 0 : i32
    %dma_wait3A_722 = tpu.memref_slice %arg4[%add3A_717, %dma_wait3A_721] : memref<320000x128xf32, #tpu.memory_space<hbm>> -> memref<72x128xf32, #tpu.memory_space<hbm>>
    %dma_wait3A_723 = arith.constant 0 : i32
    %dma_wait3A_724 = tpu.memref_slice %arg4[%add3A_717, %dma_wait3A_723] : memref<320000x128xf32, #tpu.memory_space<hbm>> -> memref<72x128xf32, #tpu.memory_space<hbm>>
    %dma_wait3A_725 = arith.constant 0 : i32
    %dma_wait3A_726 = arith.constant 0 : i32
    %dma_wait3A_727 = tpu.memref_slice %arg15[%dma_wait3A_725, %dma_wait3A_726] : memref<72x128xf32, #tpu.memory_space<vmem>> -> memref<72x128xf32, #tpu.memory_space<vmem>>
    tpu.wait_dma2 semaphore(%arg30 : memref<!tpu.dma_semaphore, #tpu.memory_space<semaphore_mem>>) src(%dma_wait3A_727 : memref<72x128xf32, #tpu.memory_space<vmem>>) dst(%dma_wait3A_724 : memref<72x128xf32, #tpu.memory_space<hbm>>)
    %dma_wait3A_728 = arith.constant 0 : i32
    %dma_wait3A_729 = arith.constant 0 : i32
    %dma_wait3A_730 = tpu.memref_slice %arg14[%dma_wait3A_728, %dma_wait3A_729] : memref<72x128xf32, #tpu.memory_space<vmem>> -> memref<64x128xf32, #tpu.memory_space<vmem>>
    %dma_wait3A_731 = arith.constant 0 : i32
    %dma_wait3A_732 = tpu.memref_slice %arg9[%dma_wait3A_731] : memref<72xi32, #tpu.memory_space<vmem>> -> memref<64xi32, #tpu.memory_space<vmem>>
    %dma_wait3A_733 = arith.constant 0 : i32
    %dma_wait3A_734 = arith.constant 0 : i32
    %dma_wait3A_735 = tpu.memref_slice %arg5[%dma_wait3A_733, %dma_wait3A_734] : memref<10000x128xf32, #tpu.memory_space<vmem_shared>> -> memref<10000x128xf32, #tpu.memory_space<vmem_shared>>
    tpu.wait_indirect_dma semaphore(%arg24 : memref<!tpu.dma_semaphore, #tpu.memory_space<semaphore_mem>>) src(%dma_wait3A_735 : memref<10000x128xf32, #tpu.memory_space<vmem_shared>>) dst(%dma_wait3A_730 : memref<64x128xf32, #tpu.memory_space<vmem>>)
    %add3A_736 = arith.constant 9936 : i32
    %add3A_737 = arith.addi %mul3A_2, %add3A_736 : i32
    %dma_start3A_738 = arith.constant 0 : i32
    %dma_start3A_739 = arith.constant 0 : i32
    %dma_start3A_740 = tpu.memref_slice %arg14[%dma_start3A_738, %dma_start3A_739] : memref<72x128xf32, #tpu.memory_space<vmem>> -> memref<64x128xf32, #tpu.memory_space<vmem>>
    %dma_start3A_741 = arith.constant 0 : i32
    %dma_start3A_742 = tpu.memref_slice %arg4[%add3A_737, %dma_start3A_741] : memref<320000x128xf32, #tpu.memory_space<hbm>> -> memref<64x128xf32, #tpu.memory_space<hbm>>
    %dma_start3A_743 = arith.constant 0 : i32
    %dma_start3A_744 = tpu.memref_slice %arg4[%add3A_737, %dma_start3A_743] : memref<320000x128xf32, #tpu.memory_space<hbm>> -> memref<64x128xf32, #tpu.memory_space<hbm>>
    %dma_start3A_745 = arith.constant 0 : i32
    %dma_start3A_746 = arith.constant 0 : i32
    %dma_start3A_747 = tpu.memref_slice %arg14[%dma_start3A_745, %dma_start3A_746] : memref<72x128xf32, #tpu.memory_space<vmem>> -> memref<64x128xf32, #tpu.memory_space<vmem>>
    tpu.enqueue_dma source(%dma_start3A_747 : memref<64x128xf32, #tpu.memory_space<vmem>>) target(%dma_start3A_744 : memref<64x128xf32, #tpu.memory_space<hbm>>) target_semaphore(%arg29 : memref<!tpu.dma_semaphore, #tpu.memory_space<semaphore_mem>>)
    %add3A_748 = arith.constant 9720 : i32
    %add3A_749 = arith.addi %mul3A_2, %add3A_748 : i32
    %dma_wait3A_750 = arith.constant 0 : i32
    %dma_wait3A_751 = arith.constant 0 : i32
    %dma_wait3A_752 = tpu.memref_slice %arg11[%dma_wait3A_750, %dma_wait3A_751] : memref<72x128xf32, #tpu.memory_space<vmem>> -> memref<72x128xf32, #tpu.memory_space<vmem>>
    %dma_wait3A_753 = arith.constant 0 : i32
    %dma_wait3A_754 = tpu.memref_slice %arg4[%add3A_749, %dma_wait3A_753] : memref<320000x128xf32, #tpu.memory_space<hbm>> -> memref<72x128xf32, #tpu.memory_space<hbm>>
    %dma_wait3A_755 = arith.constant 0 : i32
    %dma_wait3A_756 = tpu.memref_slice %arg4[%add3A_749, %dma_wait3A_755] : memref<320000x128xf32, #tpu.memory_space<hbm>> -> memref<72x128xf32, #tpu.memory_space<hbm>>
    %dma_wait3A_757 = arith.constant 0 : i32
    %dma_wait3A_758 = arith.constant 0 : i32
    %dma_wait3A_759 = tpu.memref_slice %arg11[%dma_wait3A_757, %dma_wait3A_758] : memref<72x128xf32, #tpu.memory_space<vmem>> -> memref<72x128xf32, #tpu.memory_space<vmem>>
    tpu.wait_dma2 semaphore(%arg26 : memref<!tpu.dma_semaphore, #tpu.memory_space<semaphore_mem>>) src(%dma_wait3A_759 : memref<72x128xf32, #tpu.memory_space<vmem>>) dst(%dma_wait3A_756 : memref<72x128xf32, #tpu.memory_space<hbm>>)
    %add3A_760 = arith.constant 9792 : i32
    %add3A_761 = arith.addi %mul3A_2, %add3A_760 : i32
    %dma_wait3A_762 = arith.constant 0 : i32
    %dma_wait3A_763 = arith.constant 0 : i32
    %dma_wait3A_764 = tpu.memref_slice %arg12[%dma_wait3A_762, %dma_wait3A_763] : memref<72x128xf32, #tpu.memory_space<vmem>> -> memref<72x128xf32, #tpu.memory_space<vmem>>
    %dma_wait3A_765 = arith.constant 0 : i32
    %dma_wait3A_766 = tpu.memref_slice %arg4[%add3A_761, %dma_wait3A_765] : memref<320000x128xf32, #tpu.memory_space<hbm>> -> memref<72x128xf32, #tpu.memory_space<hbm>>
    %dma_wait3A_767 = arith.constant 0 : i32
    %dma_wait3A_768 = tpu.memref_slice %arg4[%add3A_761, %dma_wait3A_767] : memref<320000x128xf32, #tpu.memory_space<hbm>> -> memref<72x128xf32, #tpu.memory_space<hbm>>
    %dma_wait3A_769 = arith.constant 0 : i32
    %dma_wait3A_770 = arith.constant 0 : i32
    %dma_wait3A_771 = tpu.memref_slice %arg12[%dma_wait3A_769, %dma_wait3A_770] : memref<72x128xf32, #tpu.memory_space<vmem>> -> memref<72x128xf32, #tpu.memory_space<vmem>>
    tpu.wait_dma2 semaphore(%arg27 : memref<!tpu.dma_semaphore, #tpu.memory_space<semaphore_mem>>) src(%dma_wait3A_771 : memref<72x128xf32, #tpu.memory_space<vmem>>) dst(%dma_wait3A_768 : memref<72x128xf32, #tpu.memory_space<hbm>>)
    %add3A_772 = arith.constant 9864 : i32
    %add3A_773 = arith.addi %mul3A_2, %add3A_772 : i32
    %dma_wait3A_774 = arith.constant 0 : i32
    %dma_wait3A_775 = arith.constant 0 : i32
    %dma_wait3A_776 = tpu.memref_slice %arg13[%dma_wait3A_774, %dma_wait3A_775] : memref<72x128xf32, #tpu.memory_space<vmem>> -> memref<72x128xf32, #tpu.memory_space<vmem>>
    %dma_wait3A_777 = arith.constant 0 : i32
    %dma_wait3A_778 = tpu.memref_slice %arg4[%add3A_773, %dma_wait3A_777] : memref<320000x128xf32, #tpu.memory_space<hbm>> -> memref<72x128xf32, #tpu.memory_space<hbm>>
    %dma_wait3A_779 = arith.constant 0 : i32
    %dma_wait3A_780 = tpu.memref_slice %arg4[%add3A_773, %dma_wait3A_779] : memref<320000x128xf32, #tpu.memory_space<hbm>> -> memref<72x128xf32, #tpu.memory_space<hbm>>
    %dma_wait3A_781 = arith.constant 0 : i32
    %dma_wait3A_782 = arith.constant 0 : i32
    %dma_wait3A_783 = tpu.memref_slice %arg13[%dma_wait3A_781, %dma_wait3A_782] : memref<72x128xf32, #tpu.memory_space<vmem>> -> memref<72x128xf32, #tpu.memory_space<vmem>>
    tpu.wait_dma2 semaphore(%arg28 : memref<!tpu.dma_semaphore, #tpu.memory_space<semaphore_mem>>) src(%dma_wait3A_783 : memref<72x128xf32, #tpu.memory_space<vmem>>) dst(%dma_wait3A_780 : memref<72x128xf32, #tpu.memory_space<hbm>>)
    %add3A_784 = arith.constant 9936 : i32
    %add3A_785 = arith.addi %mul3A_2, %add3A_784 : i32
    %dma_wait3A_786 = arith.constant 0 : i32
    %dma_wait3A_787 = arith.constant 0 : i32
    %dma_wait3A_788 = tpu.memref_slice %arg14[%dma_wait3A_786, %dma_wait3A_787] : memref<72x128xf32, #tpu.memory_space<vmem>> -> memref<64x128xf32, #tpu.memory_space<vmem>>
    %dma_wait3A_789 = arith.constant 0 : i32
    %dma_wait3A_790 = tpu.memref_slice %arg4[%add3A_785, %dma_wait3A_789] : memref<320000x128xf32, #tpu.memory_space<hbm>> -> memref<64x128xf32, #tpu.memory_space<hbm>>
    %dma_wait3A_791 = arith.constant 0 : i32
    %dma_wait3A_792 = tpu.memref_slice %arg4[%add3A_785, %dma_wait3A_791] : memref<320000x128xf32, #tpu.memory_space<hbm>> -> memref<64x128xf32, #tpu.memory_space<hbm>>
    %dma_wait3A_793 = arith.constant 0 : i32
    %dma_wait3A_794 = arith.constant 0 : i32
    %dma_wait3A_795 = tpu.memref_slice %arg14[%dma_wait3A_793, %dma_wait3A_794] : memref<72x128xf32, #tpu.memory_space<vmem>> -> memref<64x128xf32, #tpu.memory_space<vmem>>
    tpu.wait_dma2 semaphore(%arg29 : memref<!tpu.dma_semaphore, #tpu.memory_space<semaphore_mem>>) src(%dma_wait3A_795 : memref<64x128xf32, #tpu.memory_space<vmem>>) dst(%dma_wait3A_792 : memref<64x128xf32, #tpu.memory_space<hbm>>)
    return
  }
}

</mosaic_0001>

<sc_bundles>
// kernel: _gather.3.cloned.1.call-start
scs
__scs_entry_jumppad:
0x0: {  	(pc) =	sbr.rel $0x88, $3  }
0x1: {  	(tag) =	ssettag $0x0;
	lr =	simm.s32 $0x1  }
0x2: {  	[smem:$0x3F9F] =	sst lr;
	_ =	strace $0xD0000000  }
0x3: {  	_ = 	snop  }
0x4: {  	_ = 	snop  }
0x5: {  	_ = 	snop  }
0x6: {  	_ = 	snop  }
0x7: {  	_ = 	snop  }
__scs_overlays_trampoline_lowered:
0x8: {  	[smem:$0x3FAE] =	sst s0  }
0x9: {  	[smem:$0x3FAF] =	sst s1  }
0xa: {  	[smem:$0x3FB0] =	sst s2  }
0xb: {  	[smem:$0x3FB1] =	sst s3  }
0xc: {  	[smem:$0x3FB2] =	sst s4  }
0xd: {  	[smem:$0x3FB3] =	sst s5  }
0xe: {  	[smem:$0x3FB4] =	sst s6  }
0xf: {  	[smem:$0x3FB5] =	sst s7  }
0x10: {  	[smem:$0x3FB6] =	sst s8  }
0x11: {  	[smem:$0x3FB7] =	sst s9;
	s0 =	simm.s32 @!p0 $0x0  }
0x12: {  	s1 =	sld [smem:$0x3F9D];
	s0 =	simm.s32 @p0 $0x1  }
0x13: {  	[smem:$0x3FB8] =	sst s0;
	s0 =	simm.s32 @!p1 $0x0  }
0x14: {  	s2 =	sld [smem:$0x3F9C];
	s0 =	simm.s32 @p1 $0x1  }
0x15: {  	[smem:$0x3FB9] =	sst s0;
	s0 =	simm.s32 @!p2 $0x0  }
0x16: {  	s3 =	sld [smem:$0x3FDB];
	s0 =	simm.s32 @p2 $0x1  }
0x17: {  	s4 =	simm.s32 $0x1BF5;
	[smem:$0x3FBB] =	sst s0  }
0x18: {  	s0 =	sld [smem:$0x3F9E];
	_ =	swait.ge [sflag:s4], $0x0  }
0x19: {  	s7 =	sld [smem:$0x3F9F]  }
0x1a: {  	s8 =	sadd.s32 $0xFFFFE003, lr  }
0x1b: {  	s9 =	sadd.s32 $0xFFFFFEF7, lr;
	s5 =	simm.s32 $0xFFFFFFFF;
	p2 =	slt.u32 s8, $0xFFFFF086  }
0x1c: {  	p1 =	slt.u32 s9, $0xF7A;
	s5 =	simm.s32 @!p2 $0x0  }
0x1d: {  	s5 =	simm.s32 @p1 $0x1;
	p0 =	seq.s32 s7, s2  }
0x1e: {  	s7 =	smul.u32 @!p0 $0xF7A, s2;
	p2 =	seq.s32 @!p0 s5, $0x0  }
0x1f: {  	s9 =	smul.u32 $0xF7A, s1;
	s8 =	simm.s32 @!p0 $0x1BF5;
	p2 =	por !p2, p0  }
0x20: {  	[sflag:s8] =	ssyncset.s32 @!p0 $0xFFFFF086;
	s6 =	sadd.s32 @!p0 s3, s7;
	s7 =	simm.s32 @!p0 $0x108  }
0x21: {  	s3 =	sadd.s32 s3, s9;
	s6 =	sadd.s32 @!p0 $0x88, s6;
	s7 =	simm.s32 @p2 $0x1082  }
0x22: {  	[simem:s7], [sflag:s8] =	dma.local @!p0 [hbm:s6], $0xF7A  }
0x23: {  	s9 =	sor.u32 $0xD0000000, s2;
	s6 =	simm.s32 $0x108;
	_ =	swait.ge @!p0 [sflag:s8], $0x0  }
0x24: {  	s3 =	sadd.s32 $0x88, s3;
	s6 =	simm.s32 @!p1 $0x1082;
	[sflag:s4] =	ssyncset.s32 $0xFFFFF086  }
0x25: {  	[simem:s6], [sflag:s4] =	dma.local [hbm:s3], $0xF7A  }
0x26: {  	[smem:$0x3F9F] =	sst s1;
	(tag) =	ssettag s2;
	_ =	strace s9  }
0x27: {  	s1 =	sld [smem:$0x3FAF]  }
0x28: {  	s2 =	sld [smem:$0x3FB0]  }
0x29: {  	s4 =	sld [smem:$0x3FB2]  }
0x2a: {  	p0 =	seq.s32 s5, $0x0;
	s5 =	sld [smem:$0x3FB3]  }
0x2b: {  	s6 =	sld [smem:$0x3FB4]  }
0x2c: {  	s7 =	sld [smem:$0x3FB5]  }
0x2d: {  	s3 =	simm.s32 $0x108;
	s8 =	sld [smem:$0x3FB6]  }
0x2e: {  	s3 =	simm.s32 @!p0 $0x1082;
	s9 =	sld [smem:$0x3FB7]  }
0x2f: {  	lr =	sadd.s32 s0, s3;
	s0 =	sld [smem:$0x3FAE]  }
0x30: {  	s3 =	sld [smem:$0x3FB1]  }
0x31: {  	[smem:$0x3FBA] =	sst s10  }
0x32: {  	s10 =	sld [smem:$0x3FB8];
	_ =	sdelay $0x3  }
0x33: {  	p0 =	seq.s32 s10, $0x1;
	s10 =	sld [smem:$0x3FBA];
	_ =	sdelay $0x3  }
0x34: {  	[smem:$0x3FBA] =	sst s10  }
0x35: {  	s10 =	sld [smem:$0x3FB9];
	_ =	sdelay $0x3  }
0x36: {  	p1 =	seq.s32 s10, $0x1;
	s10 =	sld [smem:$0x3FBA];
	_ =	sdelay $0x3  }
0x37: {  	[smem:$0x3FBA] =	sst s10  }
0x38: {  	s10 =	sld [smem:$0x3FBB]  }
0x39: {  	_ = 	snop;
	(pc) =	sbr.ind lr, $3  }
0x3a: {  	_ = 	snop  }
0x3b: {  	_ = 	snop  }
0x3c: {  	p2 =	seq.s32 s10, $0x1;
	s10 =	sld [smem:$0x3FBA]  }
0x3d: {  	_ =	shalt  }
0x3e: {  	_ =	shalt  }
0x3f: {  	_ =	shalt  }
0x40: {  	_ =	shalt  }
0x41: {  	_ =	shalt  }
0x42: {  	_ =	shalt  }
0x43: {  	_ =	shalt  }
0x44: {  	_ =	shalt  }
0x45: {  	_ =	shalt  }
0x46: {  	_ =	shalt  }
0x47: {  	_ =	shalt  }
0x48: {  	_ =	shalt  }
0x49: {  	_ =	shalt  }
0x4a: {  	_ =	shalt  }
0x4b: {  	_ =	shalt  }
0x4c: {  	_ =	shalt  }
0x4d: {  	_ =	shalt  }
0x4e: {  	_ =	shalt  }
0x4f: {  	_ =	shalt  }
0x50: {  	_ =	shalt  }
0x51: {  	_ =	shalt  }
0x52: {  	_ =	shalt  }
0x53: {  	_ =	shalt  }
0x54: {  	_ =	shalt  }
0x55: {  	_ =	shalt  }
0x56: {  	_ =	shalt  }
0x57: {  	_ =	shalt  }
0x58: {  	_ =	shalt  }
0x59: {  	_ =	shalt  }
0x5a: {  	_ =	shalt  }
0x5b: {  	_ =	shalt  }
0x5c: {  	_ =	shalt  }
0x5d: {  	_ =	shalt  }
0x5e: {  	_ =	shalt  }
0x5f: {  	_ =	shalt  }
0x60: {  	_ =	shalt  }
0x61: {  	_ =	shalt  }
0x62: {  	_ =	shalt  }
0x63: {  	_ =	shalt  }
0x64: {  	_ =	shalt  }
0x65: {  	_ =	shalt  }
0x66: {  	_ =	shalt  }
0x67: {  	_ =	shalt  }
0x68: {  	_ =	shalt  }
0x69: {  	_ =	shalt  }
0x6a: {  	_ =	shalt  }
0x6b: {  	_ =	shalt  }
0x6c: {  	_ =	shalt  }
0x6d: {  	_ =	shalt  }
0x6e: {  	_ =	shalt  }
0x6f: {  	_ =	shalt  }
0x70: {  	_ =	shalt  }
0x71: {  	_ =	shalt  }
0x72: {  	_ =	shalt  }
0x73: {  	_ =	shalt  }
0x74: {  	_ =	shalt  }
0x75: {  	_ =	shalt  }
0x76: {  	_ =	shalt  }
0x77: {  	_ =	shalt  }
0x78: {  	_ =	shalt  }
0x79: {  	_ =	shalt  }
0x7a: {  	_ =	shalt  }
0x7b: {  	_ =	shalt  }
0x7c: {  	_ =	shalt  }
0x7d: {  	_ =	shalt  }
0x7e: {  	_ =	shalt  }
0x7f: {  	_ =	shalt  }
0x80: {  	_ =	shalt  }
0x81: {  	_ =	shalt  }
0x82: {  	_ =	shalt  }
0x83: {  	_ =	shalt  }
0x84: {  	_ =	shalt  }
0x85: {  	_ =	shalt  }
0x86: {  	_ =	shalt  }
0x87: {  	_ =	shalt  }
.Lfunc_end0:
.L_simem_size_0:
called_computation_lowered:
.L_overlay_start_0:
0x88: {  	s2 =	sld [smem:$0x3FD9]  }
0x89: {  	s3 =	sld [smem:$0x3FFE];
	_ =	sdelay $0x1  }
0x8a: {  	s1 =	srdreg.scid  }
0x8b: {  	s0 =	sand.u32 $0x1, s1  }
0x8c: {  	s18 =	sshll.u32 s0, $0xA;
	s2 =	sadd.s32 s3, s2  }
0x8d: {  	s2 =	sadd.s32 s2, s18  }
0x8e: {  	[smem:$0x3FC6] =	sst s2  }
0x8f: {  	_ = 	snop  }
0x90: {  	s2 =	sld [smem:$0x3FC9]  }
0x91: {  	s19 =	sld [smem:$0x3FC8]  }
0x92: {  	s4 =	sld [smem:$0x3FD0];
	(tm) =	ssettm $0x1  }
0x93: {  	s5 =	sld [smem:$0x3FFB];
	_ =	sdelay $0x3  }
0x94: {  	_ =	strace s5  }
0x95: {  	s5 =	sld [smem:$0x3FFC];
	_ =	sdelay $0x3  }
0x96: {  	_ =	strace s5  }
0x97: {  	s5 =	sld [smem:$0x3FFD];
	_ =	sdelay $0x3  }
0x98: {  	_ =	strace s5  }
0x99: {  	_ =	strace $0x8FFFFFFF  }
0x9a: {  	s20 =	sld [smem:$0x3FDB];
	_ =	sdelay $0x1  }
0x9b: {  	s6 =	simm.s32 $_scs_section_size  }
0x9c: {  	s7 =	simm.s32 $_size__tile_overlayer_lowered;
	s8 =	simm.s32 $_tile_overlayer_lowered  }
0x9d: {  	s23 =	simm.s32 $0x1BFF;
	s22 =	sshll.u32 s8, $0x1;
	s5 =	sadd.s32 s6, s20  }
0x9e: {  	s9 =	simm.s32 $0x0;
	s21 =	sshll.u32 s7, $0x1;
	s7 =	sadd.s32 s22, s5  }
0x9f: {  	[timem:s9], [sflag:s23] =	dma.local [hbm:s7], s21  }
0xa0: {  	_ =	swait.ge [sflag:s23], s21  }
0xa1: {  	s6 =	ssub.s32 $0x0, s21;
	[sflag:s23] =	ssyncset.done $0x0  }
0xa2: {  	[sflag:s23] =	ssyncadd.s32 s6;
	_ =	sdelay $0x1  }
0xa3: {  	s24 =	simm.s32 $0x1B8B  }
0xa4: {  	_ =	swait.ge [sflag:s24], $0x1  }
0xa5: {  	[sflag:s24] =	ssyncset.done $0x0  }
0xa6: {  	s25 =	simm.s32 $0x1B8E;
	[sflag:s24] =	ssyncadd.s32 $0xFFFFFFFF  }
0xa7: {  	s26 =	simm.s32 $execute0_lowered;
	[smem:$0x3FD2] =	sst s25  }
0xa8: {  	s6 =	sshll.u32 s26, $0x1;
	_ =	strace $0x80000046;
	[dreg:$0x1] =	wrdreg $0xFFFFFFFF  }
0xa9: {  	s28 =	simm.s32 $_size_execute0_lowered;
	s5 =	sadd.s32 s5, s6;
	[dreg:$0x0] =	wrdreg $0x0  }
0xaa: {  	s6 =	sshll.u32 s28, $0x1;
	[dreg:$0x2] =	wrdreg s5  }
0xab: {  	[dreg:$0x3] =	wrdreg s6  }
0xac: {  	[dreg:$0x4] =	wrdreg $0xC0  }
0xad: {  	_ =	task [dreg:s9], $0x5FFFF  }
0xae: {  	[dreg:$0x1] =	wrdreg $0xFFFFFFFF  }
0xaf: {  	[dreg:$0x0] =	wrdreg $0x60  }
0xb0: {  	[dreg:$0x2] =	wrdreg s2  }
0xb1: {  	[dreg:$0x3] =	wrdreg s19  }
0xb2: {  	[dreg:$0x4] =	wrdreg s4  }
0xb3: {  	[dreg:$0x5] =	wrdreg $0x0  }
0xb4: {  	[dreg:$0x6] =	wrdreg $0x9  }
0xb5: {  	_ =	task.clear_ibuf [dreg:s9], $0x7FFFF;
	_ =	strace $0x90000046  }
0xb6: {  	s29 =	simm.s32 $0x9;
	_ =	strace $0x80000048  }
0xb7: {  	_ =	swait.ge [sflag:s29], $0x1  }
0xb8: {  	[sflag:s29] =	ssyncadd.s32 $0xFFFFFFFF  }
0xb9: {  	_ =	strace $0x90000048  }
0xba: {  	_ =	sfence  }
0xbb: {  	s30 =	sld [smem:$0x0];
	_ =	sdelay $0x2  }
0xbc: {  	s31 =	sshll.u32 s1, $0xD;
	s1 =	sshrl.u32 s1, $0x2  }
0xbd: {  	s3 =	sand.u32 $0x4000, s31;
	s1 =	sadd.s32 s1, s30  }
0xbe: {  	s0 =	sor.u32 s3, s0;
	s1 =	sshll.u32 s1, $0x11  }
0xbf: {  	s0 =	sor.u32 s1, s0  }
0xc0: {  	s0 =	sadd.s32 $0x8F2B, s0  }
0xc1: {  	[sflag:s0] =	ssyncadd.remote.s32 $0x1  }
0xc2: {  	_ =	sfence.sel $0xFFFF  }
0xc3: {  	[dreg:$0x0] =	wrdreg $0xFFFFFFFF;
	(pc) =	sbr.abs _section_cstart, $3  }
0xc4: {  	[dreg:$0x1] =	wrdreg $0xFFFFFFFF  }
0xc5: {  	_ =	task.clear_ibuf [dreg:s9], $0x2FFFF;
	_ =	strace $0x9FFFFFFF  }
0xc6: {  	(tm) =	ssettm $0x7FFFFFFF  }
0xc7: {  	_ =	shalt  }
tec
execute0_lowered:
.L_overlay_start_1:
0x0: {  	(tag) =	ssettag $0x1  }
0x1: {  	s19 =	rddreg [dreg:$0x0]  }
0x2: {  	s0 =	rddreg [dreg:$0x1]  }
0x3: {  	s6 =	rddreg [dreg:$0x2]  }
0x4: {  	s3 =	rddreg [dreg:$0x3]  }
0x5: {  	s1 =	srdreg.scid;
	s20 =	stileid.u32;
	s4 =	simm.s32 $0x0  }
0x6: {  	s28 =	simm.s32 $0x1CB00;
	s7 =	sand.u32 $0x1, s1;
	s11 =	smul.u32 $0x4E20, s20  }
0x7: {  	s29 =	simm.s32 $0x9;
	s17 =	sshll.u32 s20, $0x1;
	s14 =	smul.u32 $0x2710, s7  }
0x8: {  	s5 =	ssub.s32 $0x2, s7;
	s8 =	sor.u32 s7, s17;
	s7 =	smul.u32 $0x27100, s7  }
0x9: {  	s30 =	simm.s32 $0xB;
	s31 =	simm.s32 $0xA;
	s2 =	smul.u32 $0x2710, s8  }
0xa: {  	[smem:$0x7FF] =	sst s4;
	p0 =	sgt.u32 s20, $0x9;
	s21 =	smul.u32 $0x27100, s8  }
0xb: {  	_ =	strace $0x80000047;
	s18 =	sshrl.u32 s5, $0x1;
	s8 =	smul.u32 $0x138800, s8  }
0xc: {  	s1 =	ssub.s32 s5, s18;
	s9 =	sadd.s32 $0x48, s2;
	s10 =	sadd.s32 $0x90, s2  }
0xd: {  	s12 =	sadd.s32 $0xD8, s2;
	s13 =	sadd.s32 $0x120, s2;
	s15 =	sadd.s32 $0x168, s2  }
0xe: {  	s5 =	sadd.s32 s6, s21;
	s16 =	sadd.s32 $0x1B0, s2;
	s8 =	sshrl.u32 s8, $0x3  }
0xf: {  	s1 =	smax.u32 s1, $0x1;
	[dreg:$0xa] =	wrdreg s5;
	s17 =	sshll.u32 s9, $0x4  }
0x10: {  	s18 =	sshll.u32 s10, $0x4;
	s5 =	sadd.s32 s14, s11;
	s25 =	sshll.u32 s12, $0x4  }
0x11: {  	s26 =	sshll.u32 s13, $0x4;
	s8 =	sadd.s32 s6, s8;
	s9 =	sshrl.u32 s9, $0x3  }
0x12: {  	s10 =	sshrl.u32 s10, $0x3;
	s12 =	sshrl.u32 s12, $0x3;
	[smem:$0x7F9] =	sst s1  }
0x13: {  	s22 =	sadd.s32 s6, s17;
	s23 =	sadd.s32 s6, s18;
	s24 =	sadd.s32 $0x480, s5  }
0x14: {  	s14 =	sadd.s32 s6, s25;
	s17 =	sadd.s32 s6, s26;
	[dreg:$0xb] =	wrdreg s22  }
0x15: {  	s18 =	sshll.u32 s15, $0x4;
	s21 =	sadd.s32 $0x438, s5;
	[dreg:$0xc] =	wrdreg s23  }
0x16: {  	s26 =	smul.u32 $0x4E200, s20;
	s11 =	sshrl.u32 s24, $0x3;
	[dreg:$0xd] =	wrdreg s14  }
0x17: {  	[dreg:$0xe] =	wrdreg s17;
	s22 =	sshll.u32 s16, $0x4;
	s14 =	sadd.s32 s6, s18  }
0x18: {  	s18 =	sadd.s32 s0, s12;
	s12 =	smul.u32 $0x7D000, s20;
	[dreg:$0xf] =	wrdreg s14  }
0x19: {  	s11 =	sadd.s32 s11, s0;
	s23 =	sadd.s32 s6, s22;
	[dreg:$0x16] =	wrdreg s18  }
0x1a: {  	s14 =	sadd.s32 $0x26D0, s2;
	[dreg:$0x5] =	wrdreg s11;
	s11 =	sshrl.u32 s21, $0x3  }
0x1b: {  	s22 =	sadd.s32 $0x3A8, s5;
	[dreg:$0x10] =	wrdreg s23;
	s11 =	sadd.s32 s11, s0  }
0x1c: {  	s18 =	sadd.s32 $0x25200, s8;
	[dreg:$0x6] =	wrdreg s11;
	s11 =	sadd.s32 $0x2688, s2  }
0x1d: {  	s25 =	sshll.u32 s14, $0x4;
	s21 =	sadd.s32 $0x3F0, s5;
	s24 =	sshll.u32 s11, $0x4  }
0x1e: {  	[smem:$0x7F4] =	sst s18;
	s18 =	simm.s32 $0x2;
	s17 =	sadd.s32 s6, s24  }
0x1f: {  	s24 =	sshrl.u32 s22, $0x3;
	s22 =	sshrl.u32 s15, $0x3;
	s15 =	sshrl.u32 s12, $0x2  }
0x20: {  	[dreg:$0x11] =	wrdreg s17;
	s17 =	sadd.s32 s6, s25;
	s6 =	sadd.s32 s26, s6  }
0x21: {  	s25 =	sadd.s32 s24, s0;
	s26 =	sshrl.u32 s2, $0x3;
	[dreg:$0x12] =	wrdreg s17  }
0x22: {  	s17 =	sshrl.u32 s21, $0x3;
	s6 =	sadd.s32 s7, s6;
	[dreg:$0x8] =	wrdreg s25  }
0x23: {  	s7 =	sadd.s32 s0, s9;
	s21 =	sshrl.u32 s13, $0x3;
	s25 =	sadd.s32 $0x1F8, s2  }
0x24: {  	s13 =	sshrl.u32 s14, $0x3;
	s14 =	smul.u32 $0x3E80, s20;
	s20 =	simm.s32 $0x6  }
0x25: {  	s23 =	sadd.s32 s17, s0;
	s17 =	sadd.s32 s0, s26;
	[dreg:$0x14] =	wrdreg s7  }
0x26: {  	s7 =	sadd.s32 s0, s10;
	s26 =	sadd.s32 $0x288, s2;
	[dreg:$0x7] =	wrdreg s23  }
0x27: {  	s2 =	sadd.s32 $0x318, s2;
	s10 =	sshrl.u32 s11, $0x3;
	[dreg:$0x15] =	wrdreg s7  }
0x28: {  	s11 =	sadd.s32 $0x360, s5;
	s7 =	sadd.s32 s0, s21;
	[dreg:$0x13] =	wrdreg s17  }
0x29: {  	s23 =	sshrl.u32 s16, $0x3;
	s16 =	sadd.s32 s19, s14;
	[dreg:$0x17] =	wrdreg s7  }
0x2a: {  	s5 =	simm.s32 $0x0;
	s19 =	sadd.s32 $0x25680, s8;
	[dreg:$0x1f] =	wrdreg s16  }
0x2b: {  	s9 =	sshrl.u32 s26, $0x3;
	s21 =	sadd.s32 $0x25B00, s8;
	[smem:$0x7F5] =	sst s19  }
0x2c: {  	s2 =	sshrl.u32 s2, $0x3;
	s26 =	sadd.s32 $0x5A, s17;
	[smem:$0x7F6] =	sst s21  }
0x2d: {  	s14 =	simm.s32 $0x8;
	s7 =	sadd.s32 s0, s22;
	[smem:$0x7FD] =	sst s26  }
0x2e: {  	s24 =	sadd.s32 s0, s23;
	s2 =	sadd.s32 s0, s2;
	[dreg:$0x18] =	wrdreg s7  }
0x2f: {  	s22 =	sadd.s32 $0x25F80, s8;
	s23 =	sadd.s32 $0x26400, s8;
	[dreg:$0x19] =	wrdreg s24  }
0x30: {  	s16 =	simm.s32 $0x48;
	s21 =	simm.s32 $0x3;
	[dreg:$0x1c] =	wrdreg s2  }
0x31: {  	s26 =	simm.s32 $0x5;
	s7 =	sshrl.u32 s25, $0x3;
	[smem:$0x7F7] =	sst s22  }
0x32: {  	s2 =	sadd.s32 s0, s10;
	[smem:$0x7F8] =	sst s23;
	s24 =	sadd.s32 $0x3180, s6  }
0x33: {  	s25 =	sadd.s32 $0x48, s17;
	s23 =	simm.s32 $0x7;
	[dreg:$0x1d] =	wrdreg s2  }
0x34: {  	s6 =	simm.s32 $0xE;
	s7 =	sadd.s32 s0, s7;
	[smem:$0x7FA] =	sst s24  }
0x35: {  	s2 =	sshrl.u32 s11, $0x3;
	[smem:$0x7FC] =	sst s25;
	s24 =	simm.s32 $0x4  }
0x36: {  	s25 =	simm.s32 $0x18300;
	[dreg:$0x1a] =	wrdreg s7;
	s7 =	sadd.s32 s0, s9  }
0x37: {  	[dreg:$0x1b] =	wrdreg s7;
	s7 =	sadd.s32 s0, s13;
	s0 =	sadd.s32 s2, s0  }
0x38: {  	s2 =	simm.s32 $0xD;
	[dreg:$0x9] =	wrdreg s0;
	s0 =	sadd.s32 s15, s3  }
0x39: {  	[dreg:$0x1e] =	wrdreg s7;
	s15 =	simm.s32 $0x1;
	s0 =	sshrl.u32 @!p0 s0, $0x3  }
0x3a: {  	s7 =	simm.s32 $0xF;
	[smem:$0x7FB] =	sst s0;
	s0 =	simm.s32 $0xC  }
.LBB2_1:
0x3b: {  	s1 =	stileid.u32;
	s8 =	sld [smem:$0x7FB]  }
0x3c: {  	[smem:$0x7F3] =	sst s5;
	s1 =	sshll.u32 @!p0 s1, $0x6  }
0x3d: {  	s5 =	rddreg [dreg:$0x1f];
	s1 =	sor.u32 @!p0 $0x1C10, s1  }
0x3e: {  	[spmem:s8], [sflag:s1] =	dma.local @!p0 [hbm:s5], $0x3E80  }
0x3f: {  	s8 =	simm.s32 $0x13880;
	s1 =	rddreg [dreg:$0x13]  }
0x40: {  	[tilespmem:s8], [sflag:$0x1] =	stream.linear.gather [hbm4b:s1+s4], $0x48, $0x38;
	[tilespmem:$0x1EF00] =	vst v63  }
0x41: {  	s9 =	simm.s32 $0x13900;
	s12 =	rddreg [dreg:$0x14]  }
0x42: {  	[tilespmem:s9], [sflag:$0x2] =	stream.linear.gather [hbm4b:s12+s4], $0x48, $0x38;
	[tilespmem:$0x1EF00] =	vst v63  }
0x43: {  	s10 =	simm.s32 $0x13980;
	s13 =	rddreg [dreg:$0x15]  }
0x44: {  	[tilespmem:s10], [sflag:$0x3] =	stream.linear.gather [hbm4b:s13+s4], $0x48, $0x38;
	[tilespmem:$0x1EF00] =	vst v63  }
0x45: {  	s11 =	simm.s32 $0x13A00;
	s17 =	rddreg [dreg:$0x16]  }
0x46: {  	[tilespmem:s11], [sflag:$0x4] =	stream.linear.gather [hbm4b:s17+s4], $0x48, $0x38;
	[tilespmem:$0x1EF00] =	vst v63  }
0x47: {  	s19 =	rddreg [dreg:$0x17];
	s12 =	simm.s32 $0x13A80  }
0x48: {  	[tilespmem:s12], [sflag:$0x5] =	stream.linear.gather [hbm4b:s19+s4], $0x48, $0x38;
	[tilespmem:$0x1EF00] =	vst v63  }
0x49: {  	_ =	swait.ge [sflag:s15], $0x48  }
0x4a: {  	[sflag:s15] =	ssyncset.done $0x0  }
0x4b: {  	[sflag:s15] =	ssyncadd.s32 $0xFFFFFFB8  }
0x4c: {  	s13 =	simm.s32 $0x13B00;
	s1 =	rddreg [dreg:$0x0]  }
0x4d: {  	[tilespmem:s13], [sflag:$0x6] =	stream.indirect.gather [hbm4b:s1+s16], $0x80, s8, s16, $0xb8;
	[tilespmem:$0x1EF00] =	vst v63  }
0x4e: {  	_ =	swait.ge [sflag:s18], $0x48  }
0x4f: {  	[sflag:s18] =	ssyncset.done $0x0  }
0x50: {  	s17 =	simm.s32 $0x15F00;
	[sflag:s18] =	ssyncadd.s32 $0xFFFFFFB8  }
0x51: {  	[tilespmem:s17], [sflag:$0x7] =	stream.indirect.gather [hbm4b:s1+s16], $0x80, s9, s16, $0xb8;
	[tilespmem:$0x1EF00] =	vst v63  }
0x52: {  	_ =	swait.ge [sflag:s20], $0x2400  }
0x53: {  	[sflag:s20] =	ssyncset.done $0x0  }
0x54: {  	s22 =	rddreg [dreg:$0x18];
	[sflag:s20] =	ssyncadd.s32 $0xFFFFDC00  }
0x55: {  	[tilespmem:s8], [sflag:$0x1] =	stream.linear.gather [hbm4b:s22+s4], $0x48, $0x38;
	[tilespmem:$0x1EF00] =	vst v63  }
0x56: {  	s19 =	rddreg [dreg:$0xa]  }
0x57: {  	[hbm4b:s19+s4] =	stream.linear.scatter [tilespmem:s13], [sflag:$0xB], $0x2400, $0x38;
	[tilespmem:$0x1EF00] =	vst v63  }
0x58: {  	_ =	swait.ge [sflag:s21], $0x48  }
0x59: {  	[sflag:s21] =	ssyncset.done $0x0  }
0x5a: {  	s19 =	simm.s32 $0x18300;
	[sflag:s21] =	ssyncadd.s32 $0xFFFFFFB8  }
0x5b: {  	[tilespmem:s19], [sflag:$0x8] =	stream.indirect.gather [hbm4b:s1+s16], $0x80, s10, s16, $0xb8;
	[tilespmem:$0x1EF00] =	vst v63  }
0x5c: {  	_ =	swait.ge [sflag:s23], $0x2400  }
0x5d: {  	[sflag:s23] =	ssyncset.done $0x0  }
0x5e: {  	s22 =	rddreg [dreg:$0x19];
	[sflag:s23] =	ssyncadd.s32 $0xFFFFDC00  }
0x5f: {  	[tilespmem:s9], [sflag:$0x2] =	stream.linear.gather [hbm4b:s22+s4], $0x48, $0x38;
	[tilespmem:$0x1EF00] =	vst v63  }
0x60: {  	s22 =	rddreg [dreg:$0xb]  }
0x61: {  	[hbm4b:s22+s4] =	stream.linear.scatter [tilespmem:s17], [sflag:$0xC], $0x2400, $0x38;
	[tilespmem:$0x1EF00] =	vst v63  }
0x62: {  	_ =	swait.ge [sflag:s24], $0x48  }
0x63: {  	[sflag:s24] =	ssyncset.done $0x0  }
0x64: {  	s22 =	simm.s32 $0x1A700;
	[sflag:s24] =	ssyncadd.s32 $0xFFFFFFB8  }
0x65: {  	[tilespmem:s22], [sflag:$0x9] =	stream.indirect.gather [hbm4b:s1+s16], $0x80, s11, s16, $0xb8;
	[tilespmem:$0x1EF00] =	vst v63  }
0x66: {  	_ =	swait.ge [sflag:s14], $0x2400  }
0x67: {  	[sflag:s14] =	ssyncset.done $0x0  }
0x68: {  	s5 =	rddreg [dreg:$0x1a];
	[sflag:s14] =	ssyncadd.s32 $0xFFFFDC00  }
0x69: {  	[tilespmem:s10], [sflag:$0x3] =	stream.linear.gather [hbm4b:s5+s4], $0x48, $0x38;
	[tilespmem:$0x1EF00] =	vst v63  }
0x6a: {  	s5 =	rddreg [dreg:$0xc]  }
0x6b: {  	[hbm4b:s5+s4] =	stream.linear.scatter [tilespmem:s19], [sflag:$0xD], $0x2400, $0x38;
	[tilespmem:$0x1EF00] =	vst v63  }
0x6c: {  	_ =	swait.ge [sflag:s26], $0x48  }
0x6d: {  	[sflag:s26] =	ssyncset.done $0x0  }
0x6e: {  	[sflag:s26] =	ssyncadd.s32 $0xFFFFFFB8  }
0x6f: {  	[tilespmem:s28], [sflag:$0xA] =	stream.indirect.gather [hbm4b:s1+s16], $0x80, s12, s16, $0xb8;
	[tilespmem:$0x1EF00] =	vst v63  }
0x70: {  	_ =	swait.ge [sflag:s29], $0x2400  }
0x71: {  	s5 =	sld [smem:$0x7FC]  }
0x72: {  	[sflag:s29] =	ssyncset.done $0x0  }
0x73: {  	[sflag:s29] =	ssyncadd.s32 $0xFFFFDC00  }
0x74: {  	[tilespmem:s11], [sflag:$0x4] =	stream.linear.gather [hbm4b:s5+s4], $0x48, $0x38;
	[tilespmem:$0x1EF00] =	vst v63  }
0x75: {  	s5 =	rddreg [dreg:$0xd]  }
0x76: {  	[hbm4b:s5+s4] =	stream.linear.scatter [tilespmem:s22], [sflag:$0xE], $0x2400, $0x38;
	[tilespmem:$0x1EF00] =	vst v63  }
0x77: {  	_ =	swait.ge [sflag:s30], $0x2400  }
0x78: {  	[sflag:s30] =	ssyncset.done $0x0  }
0x79: {  	[sflag:s30] =	ssyncadd.s32 $0xFFFFDC00  }
0x7a: {  	_ =	swait.ge [sflag:s15], $0x48  }
0x7b: {  	[sflag:s15] =	ssyncset.done $0x0  }
0x7c: {  	[sflag:s15] =	ssyncadd.s32 $0xFFFFFFB8  }
0x7d: {  	[tilespmem:s13], [sflag:$0x6] =	stream.indirect.gather [hbm4b:s1+s16], $0x80, s8, s16, $0xb8;
	[tilespmem:$0x1EF00] =	vst v63  }
0x7e: {  	_ =	swait.ge [sflag:s31], $0x2400  }
0x7f: {  	[sflag:s31] =	ssyncset.done $0x0  }
0x80: {  	s5 =	rddreg [dreg:$0x1b];
	[sflag:s31] =	ssyncadd.s32 $0xFFFFDC00  }
0x81: {  	[tilespmem:s12], [sflag:$0x5] =	stream.linear.gather [hbm4b:s5+s4], $0x48, $0x38;
	[tilespmem:$0x1EF00] =	vst v63  }
0x82: {  	s5 =	rddreg [dreg:$0xe]  }
0x83: {  	[hbm4b:s5+s4] =	stream.linear.scatter [tilespmem:s28], [sflag:$0xF], $0x2400, $0x38;
	[tilespmem:$0x1EF00] =	vst v63  }
0x84: {  	_ =	swait.ge [sflag:s0], $0x2400  }
0x85: {  	[sflag:s0] =	ssyncset.done $0x0  }
0x86: {  	[sflag:s0] =	ssyncadd.s32 $0xFFFFDC00  }
0x87: {  	_ =	swait.ge [sflag:s18], $0x48  }
0x88: {  	[sflag:s18] =	ssyncset.done $0x0  }
0x89: {  	[sflag:s18] =	ssyncadd.s32 $0xFFFFFFB8  }
0x8a: {  	[tilespmem:s17], [sflag:$0x7] =	stream.indirect.gather [hbm4b:s1+s16], $0x80, s9, s16, $0xb8;
	[tilespmem:$0x1EF00] =	vst v63  }
0x8b: {  	s1 =	simm.s32 @!p0 $0x10  }
0x8c: {  	_ =	swait.ge @!p0 [sflag:s1], $0x3E80  }
0x8d: {  	[sflag:s1] =	ssyncset.done @!p0 $0x0  }
0x8e: {  	[sflag:s1] =	ssyncadd.s32 @!p0 $0xFFFFC180  }
0x8f: {  	[bflag:$0x0] =	sbarrier.arrive $0xFFFF  }
0x90: {  	_ =	swait.ge [sflag:s20], $0x2400  }
0x91: {  	s5 =	sld [smem:$0x7FD]  }
0x92: {  	[sflag:s20] =	ssyncset.done $0x0  }
0x93: {  	[sflag:s20] =	ssyncadd.s32 $0xFFFFDC00  }
0x94: {  	[tilespmem:s8], [sflag:$0x1] =	stream.linear.gather [hbm4b:s5+s4], $0x48, $0x38;
	[tilespmem:$0x1EF00] =	vst v63  }
0x95: {  	s5 =	rddreg [dreg:$0xf]  }
0x96: {  	[hbm4b:s5+s4] =	stream.linear.scatter [tilespmem:s13], [sflag:$0xB], $0x2400, $0x38;
	[tilespmem:$0x1EF00] =	vst v63  }
0x97: {  	_ =	swait.ge [sflag:s2], $0x2400  }
0x98: {  	[sflag:s2] =	ssyncset.done $0x0  }
0x99: {  	[sflag:s2] =	ssyncadd.s32 $0xFFFFDC00  }
0x9a: {  	_ =	swait.ge [sflag:s21], $0x48  }
0x9b: {  	[sflag:s21] =	ssyncset.done $0x0  }
0x9c: {  	[sflag:s21] =	ssyncadd.s32 $0xFFFFFFB8  }
0x9d: {  	[tilespmem:s19], [sflag:$0x8] =	stream.indirect.gather [spmem:s3], $0x80, s10, s16, $0xb8;
	[tilespmem:$0x1EF00] =	vst v63  }
0x9e: {  	_ =	swait.ge [sflag:s23], $0x2400  }
0x9f: {  	[sflag:s23] =	ssyncset.done $0x0  }
0xa0: {  	s5 =	rddreg [dreg:$0x1c];
	[sflag:s23] =	ssyncadd.s32 $0xFFFFDC00  }
0xa1: {  	[tilespmem:s9], [sflag:$0x2] =	stream.linear.gather [hbm4b:s5+s4], $0x48, $0x38;
	[tilespmem:$0x1EF00] =	vst v63  }
0xa2: {  	s5 =	rddreg [dreg:$0x10]  }
0xa3: {  	[hbm4b:s5+s4] =	stream.linear.scatter [tilespmem:s17], [sflag:$0xC], $0x2400, $0x38;
	[tilespmem:$0x1EF00] =	vst v63  }
0xa4: {  	_ =	swait.ge [sflag:s6], $0x2400  }
0xa5: {  	[sflag:s6] =	ssyncset.done $0x0  }
0xa6: {  	[sflag:s6] =	ssyncadd.s32 $0xFFFFDC00  }
0xa7: {  	_ =	swait.ge [sflag:s24], $0x48  }
0xa8: {  	[sflag:s24] =	ssyncset.done $0x0  }
0xa9: {  	[sflag:s24] =	ssyncadd.s32 $0xFFFFFFB8  }
0xaa: {  	[tilespmem:s22], [sflag:$0x9] =	stream.indirect.gather [spmem:s3], $0x80, s11, s16, $0xb8;
	[tilespmem:$0x1EF00] =	vst v63  }
0xab: {  	_ =	swait.ge [sflag:s14], $0x2400  }
0xac: {  	s5 =	rddreg [dreg:$0x9]  }
0xad: {  	[sflag:s14] =	ssyncset.done $0x0;
	s1 =	sadd.s32 $0x0, s5;
	s5 =	sld [smem:$0x7FA]  }
0xae: {  	[sflag:s14] =	ssyncadd.s32 $0xFFFFDC00  }
0xaf: {  	[tilespmem:s10], [sflag:$0x3] =	stream.linear.gather [hbm4b:s1+s4], $0x48, $0x38;
	[tilespmem:$0x1EF00] =	vst v63  }
0xb0: {  	s1 =	sadd.s32 $0xFFFFEE00, s5  }
0xb1: {  	[hbm4b:s1+s4] =	stream.linear.scatter [tilespmem:s19], [sflag:$0xD], $0x2400, $0x38;
	[tilespmem:$0x1EF00] =	vst v63  }
0xb2: {  	_ =	swait.ge [sflag:s7], $0x2400  }
0xb3: {  	[sflag:s7] =	ssyncset.done $0x0  }
0xb4: {  	[sflag:s7] =	ssyncadd.s32 $0xFFFFDC00  }
0xb5: {  	_ =	swait.ge [sflag:s26], $0x48  }
0xb6: {  	[sflag:s26] =	ssyncset.done $0x0  }
0xb7: {  	[sflag:s26] =	ssyncadd.s32 $0xFFFFFFB8  }
0xb8: {  	[tilespmem:s28], [sflag:$0xA] =	stream.indirect.gather [spmem:s3], $0x80, s12, s16, $0xb8;
	[tilespmem:$0x1EF00] =	vst v63  }
0xb9: {  	_ =	swait.ge [sflag:s29], $0x2400  }
0xba: {  	s1 =	rddreg [dreg:$0x8];
	[sflag:s29] =	ssyncset.done $0x0  }
0xbb: {  	[sflag:s29] =	ssyncadd.s32 $0xFFFFDC00;
	s1 =	sadd.s32 $0x0, s1  }
0xbc: {  	[tilespmem:s11], [sflag:$0x4] =	stream.linear.gather [hbm4b:s1+s4], $0x48, $0x38;
	[tilespmem:$0x1EF00] =	vst v63  }
0xbd: {  	s11 =	sadd.s32 $0xFFFFF280, s5  }
0xbe: {  	[hbm4b:s11+s4] =	stream.linear.scatter [tilespmem:s22], [sflag:$0xE], $0x2400, $0x38;
	[tilespmem:$0x1EF00] =	vst v63  }
0xbf: {  	_ =	swait.ge [sflag:s30], $0x2400  }
0xc0: {  	[sflag:s30] =	ssyncset.done $0x0  }
0xc1: {  	[sflag:s30] =	ssyncadd.s32 $0xFFFFDC00  }
0xc2: {  	_ =	swait.ge [sflag:s15], $0x48  }
0xc3: {  	[sflag:s15] =	ssyncset.done $0x0  }
0xc4: {  	[sflag:s15] =	ssyncadd.s32 $0xFFFFFFB8  }
0xc5: {  	[tilespmem:s13], [sflag:$0x6] =	stream.indirect.gather [spmem:s3], $0x80, s8, s16, $0xb8;
	[tilespmem:$0x1EF00] =	vst v63  }
0xc6: {  	_ =	swait.ge [sflag:s31], $0x2400  }
0xc7: {  	s11 =	rddreg [dreg:$0x7];
	[sflag:s31] =	ssyncset.done $0x0  }
0xc8: {  	[sflag:s31] =	ssyncadd.s32 $0xFFFFDC00;
	s1 =	sadd.s32 $0x0, s11  }
0xc9: {  	[tilespmem:s12], [sflag:$0x5] =	stream.linear.gather [hbm4b:s1+s4], $0x48, $0x38;
	[tilespmem:$0x1EF00] =	vst v63  }
0xca: {  	s22 =	sadd.s32 $0xFFFFF700, s5  }
0xcb: {  	[hbm4b:s22+s4] =	stream.linear.scatter [tilespmem:s28], [sflag:$0xF], $0x2400, $0x38;
	[tilespmem:$0x1EF00] =	vst v63  }
0xcc: {  	_ =	swait.ge [sflag:s0], $0x2400  }
0xcd: {  	[sflag:s0] =	ssyncset.done $0x0  }
0xce: {  	[sflag:s0] =	ssyncadd.s32 $0xFFFFDC00  }
0xcf: {  	_ =	swait.ge [sflag:s18], $0x48  }
0xd0: {  	[sflag:s18] =	ssyncset.done $0x0  }
0xd1: {  	[sflag:s18] =	ssyncadd.s32 $0xFFFFFFB8  }
0xd2: {  	[tilespmem:s17], [sflag:$0x7] =	stream.indirect.gather [spmem:s3], $0x80, s9, s16, $0xb8;
	[tilespmem:$0x1EF00] =	vst v63  }
0xd3: {  	_ =	swait.ge [sflag:s20], $0x2400  }
0xd4: {  	s11 =	rddreg [dreg:$0x6];
	[sflag:s20] =	ssyncset.done $0x0  }
0xd5: {  	[sflag:s20] =	ssyncadd.s32 $0xFFFFDC00;
	s1 =	sadd.s32 $0x0, s11  }
0xd6: {  	[tilespmem:s8], [sflag:$0x1] =	stream.linear.gather [hbm4b:s1+s4], $0x48, $0x38;
	[tilespmem:$0x1EF00] =	vst v63  }
0xd7: {  	s12 =	sadd.s32 $0xFFFFFB80, s5  }
0xd8: {  	[hbm4b:s12+s4] =	stream.linear.scatter [tilespmem:s13], [sflag:$0xB], $0x2400, $0x38;
	[tilespmem:$0x1EF00] =	vst v63  }
0xd9: {  	_ =	swait.ge [sflag:s2], $0x2400  }
0xda: {  	[sflag:s2] =	ssyncset.done $0x0  }
0xdb: {  	[sflag:s2] =	ssyncadd.s32 $0xFFFFDC00  }
0xdc: {  	_ =	swait.ge [sflag:s21], $0x48  }
0xdd: {  	[sflag:s21] =	ssyncset.done $0x0  }
0xde: {  	[sflag:s21] =	ssyncadd.s32 $0xFFFFFFB8  }
0xdf: {  	[tilespmem:s19], [sflag:$0x8] =	stream.indirect.gather [spmem:s3], $0x80, s10, s16, $0xb8;
	[tilespmem:$0x1EF00] =	vst v63  }
0xe0: {  	_ =	swait.ge [sflag:s23], $0x2400  }
0xe1: {  	s22 =	rddreg [dreg:$0x5];
	[sflag:s23] =	ssyncset.done $0x0  }
0xe2: {  	[sflag:s23] =	ssyncadd.s32 $0xFFFFDC00;
	s1 =	sadd.s32 $0x0, s22  }
0xe3: {  	[tilespmem:s9], [sflag:$0x2] =	stream.linear.gather [hbm4b:s1+s4], $0x48, $0x38;
	[tilespmem:$0x1EF00] =	vst v63  }
0xe4: {  	_ = 	snop  }
0xe5: {  	[hbm4b:s5+s4] =	stream.linear.scatter [tilespmem:s17], [sflag:$0xC], $0x2400, $0x38;
	[tilespmem:$0x1EF00] =	vst v63  }
0xe6: {  	_ =	swait.ge [sflag:s6], $0x2400  }
0xe7: {  	[sflag:s6] =	ssyncset.done $0x0  }
0xe8: {  	[sflag:s6] =	ssyncadd.s32 $0xFFFFDC00  }
0xe9: {  	_ =	swait.ge [sflag:s24], $0x48  }
0xea: {  	[sflag:s24] =	ssyncset.done $0x0  }
0xeb: {  	s1 =	simm.s32 $0x2D;
	s5 =	sadd.s32 $0x1680, s5;
	[sflag:s24] =	ssyncadd.s32 $0xFFFFFFB8  }
.LBB2_2:
0xec: {  	s10 =	simm.s32 $0x13A00;
	s11 =	simm.s32 $0x1A700  }
0xed: {  	[tilespmem:s11], [sflag:$0x9] =	stream.indirect.gather [spmem:s3], $0x80, s10, s16, $0xb8;
	[tilespmem:$0x1EF00] =	vst v63  }
0xee: {  	_ =	swait.ge [sflag:s14], $0x2400  }
0xef: {  	s8 =	smov.u32 s1;
	s9 =	rddreg [dreg:$0x9];
	[sflag:s14] =	ssyncset.done $0x0  }
0xf0: {  	s13 =	simm.s32 $0x13980;
	[sflag:s14] =	ssyncadd.s32 $0xFFFFDC00;
	s9 =	sadd.s32 s8, s9  }
0xf1: {  	[tilespmem:s13], [sflag:$0x3] =	stream.linear.gather [hbm4b:s9+s4], $0x48, $0x38;
	[tilespmem:$0x1EF00] =	vst v63  }
0xf2: {  	s19 =	sadd.s32 $0xFFFFEE00, s5  }
0xf3: {  	[hbm4b:s19+s4] =	stream.linear.scatter [tilespmem:s25], [sflag:$0xD], $0x2400, $0x38;
	[tilespmem:$0x1EF00] =	vst v63  }
0xf4: {  	_ =	swait.ge [sflag:s7], $0x2400  }
0xf5: {  	[sflag:s7] =	ssyncset.done $0x0  }
0xf6: {  	[sflag:s7] =	ssyncadd.s32 $0xFFFFDC00  }
0xf7: {  	_ =	swait.ge [sflag:s26], $0x48  }
0xf8: {  	[sflag:s26] =	ssyncset.done $0x0  }
0xf9: {  	s12 =	simm.s32 $0x13A80;
	[sflag:s26] =	ssyncadd.s32 $0xFFFFFFB8  }
0xfa: {  	[tilespmem:s28], [sflag:$0xA] =	stream.indirect.gather [spmem:s3], $0x80, s12, s16, $0xb8;
	[tilespmem:$0x1EF00] =	vst v63  }
0xfb: {  	_ =	swait.ge [sflag:s29], $0x2400  }
0xfc: {  	s22 =	rddreg [dreg:$0x8];
	[sflag:s29] =	ssyncset.done $0x0  }
0xfd: {  	[sflag:s29] =	ssyncadd.s32 $0xFFFFDC00;
	s9 =	sadd.s32 s8, s22  }
0xfe: {  	[tilespmem:s10], [sflag:$0x4] =	stream.linear.gather [hbm4b:s9+s4], $0x48, $0x38;
	[tilespmem:$0x1EF00] =	vst v63  }
0xff: {  	s10 =	sadd.s32 $0xFFFFF280, s5  }
0x100: {  	[hbm4b:s10+s4] =	stream.linear.scatter [tilespmem:s11], [sflag:$0xE], $0x2400, $0x38;
	[tilespmem:$0x1EF00] =	vst v63  }
0x101: {  	_ =	swait.ge [sflag:s30], $0x2400  }
0x102: {  	[sflag:s30] =	ssyncset.done $0x0  }
0x103: {  	[sflag:s30] =	ssyncadd.s32 $0xFFFFDC00  }
0x104: {  	_ =	swait.ge [sflag:s15], $0x48  }
0x105: {  	[sflag:s15] =	ssyncset.done $0x0  }
0x106: {  	s19 =	simm.s32 $0x13B00;
	s11 =	simm.s32 $0x13880;
	[sflag:s15] =	ssyncadd.s32 $0xFFFFFFB8  }
0x107: {  	[tilespmem:s19], [sflag:$0x6] =	stream.indirect.gather [spmem:s3], $0x80, s11, s16, $0xb8;
	[tilespmem:$0x1EF00] =	vst v63  }
0x108: {  	_ =	swait.ge [sflag:s31], $0x2400  }
0x109: {  	s17 =	rddreg [dreg:$0x7];
	[sflag:s31] =	ssyncset.done $0x0  }
0x10a: {  	[sflag:s31] =	ssyncadd.s32 $0xFFFFDC00;
	s9 =	sadd.s32 s8, s17  }
0x10b: {  	[tilespmem:s12], [sflag:$0x5] =	stream.linear.gather [hbm4b:s9+s4], $0x48, $0x38;
	[tilespmem:$0x1EF00] =	vst v63  }
0x10c: {  	s22 =	sadd.s32 $0xFFFFF700, s5  }
0x10d: {  	[hbm4b:s22+s4] =	stream.linear.scatter [tilespmem:s28], [sflag:$0xF], $0x2400, $0x38;
	[tilespmem:$0x1EF00] =	vst v63  }
0x10e: {  	_ =	swait.ge [sflag:s0], $0x2400  }
0x10f: {  	[sflag:s0] =	ssyncset.done $0x0  }
0x110: {  	[sflag:s0] =	ssyncadd.s32 $0xFFFFDC00  }
0x111: {  	_ =	swait.ge [sflag:s18], $0x48  }
0x112: {  	[sflag:s18] =	ssyncset.done $0x0  }
0x113: {  	s12 =	simm.s32 $0x13900;
	s22 =	simm.s32 $0x15F00;
	[sflag:s18] =	ssyncadd.s32 $0xFFFFFFB8  }
0x114: {  	[tilespmem:s22], [sflag:$0x7] =	stream.indirect.gather [spmem:s3], $0x80, s12, s16, $0xb8;
	[tilespmem:$0x1EF00] =	vst v63  }
0x115: {  	_ =	swait.ge [sflag:s20], $0x2400  }
0x116: {  	s10 =	rddreg [dreg:$0x6];
	[sflag:s20] =	ssyncset.done $0x0  }
0x117: {  	[sflag:s20] =	ssyncadd.s32 $0xFFFFDC00;
	s9 =	sadd.s32 s8, s10  }
0x118: {  	[tilespmem:s11], [sflag:$0x1] =	stream.linear.gather [hbm4b:s9+s4], $0x48, $0x38;
	[tilespmem:$0x1EF00] =	vst v63  }
0x119: {  	s11 =	sadd.s32 $0xFFFFFB80, s5  }
0x11a: {  	[hbm4b:s11+s4] =	stream.linear.scatter [tilespmem:s19], [sflag:$0xB], $0x2400, $0x38;
	[tilespmem:$0x1EF00] =	vst v63  }
0x11b: {  	_ =	swait.ge [sflag:s2], $0x2400  }
0x11c: {  	[sflag:s2] =	ssyncset.done $0x0  }
0x11d: {  	[sflag:s2] =	ssyncadd.s32 $0xFFFFDC00  }
0x11e: {  	_ =	swait.ge [sflag:s21], $0x48  }
0x11f: {  	[sflag:s21] =	ssyncset.done $0x0  }
0x120: {  	[sflag:s21] =	ssyncadd.s32 $0xFFFFFFB8  }
0x121: {  	[tilespmem:s25], [sflag:$0x8] =	stream.indirect.gather [spmem:s3], $0x80, s13, s16, $0xb8;
	[tilespmem:$0x1EF00] =	vst v63  }
0x122: {  	_ =	swait.ge [sflag:s23], $0x2400  }
0x123: {  	s19 =	rddreg [dreg:$0x5];
	[sflag:s23] =	ssyncset.done $0x0  }
0x124: {  	[sflag:s23] =	ssyncadd.s32 $0xFFFFDC00;
	s8 =	sadd.s32 s8, s19  }
0x125: {  	[tilespmem:s12], [sflag:$0x2] =	stream.linear.gather [hbm4b:s8+s4], $0x48, $0x38;
	[tilespmem:$0x1EF00] =	vst v63  }
0x126: {  	_ = 	snop  }
0x127: {  	[hbm4b:s5+s4] =	stream.linear.scatter [tilespmem:s22], [sflag:$0xC], $0x2400, $0x38;
	[tilespmem:$0x1EF00] =	vst v63  }
0x128: {  	p1 =	sne.s32 s1, $0x438;
	_ =	swait.ge [sflag:s6], $0x2400  }
.Ltmp0:
0x129: {  	[sflag:s6] =	ssyncset.done $0x0;
	(pc) =	sbr.rel @p1 .LBB2_2-.Ltmp0, $4  }
0x12a: {  	[sflag:s6] =	ssyncadd.s32 $0xFFFFDC00  }
0x12b: {  	s1 =	sadd.s32 $0x2D, s1;
	_ =	swait.ge [sflag:s24], $0x48  }
0x12c: {  	s17 =	simm.s32 $0x13A80;
	s10 =	simm.s32 $0x13880;
	[sflag:s24] =	ssyncset.done $0x0  }
0x12d: {  	s9 =	simm.s32 $0x13900;
	s5 =	sadd.s32 $0x1680, s5;
	[sflag:s24] =	ssyncadd.s32 $0xFFFFFFB8  }
0x12e: {  	s8 =	simm.s32 $0x13A00;
	s13 =	simm.s32 $0x1A700  }
0x12f: {  	[tilespmem:s13], [sflag:$0x9] =	stream.indirect.gather [spmem:s3], $0x80, s8, s16, $0xb8;
	[tilespmem:$0x1EF00] =	vst v63  }
0x130: {  	_ =	swait.ge [sflag:s14], $0x2400  }
0x131: {  	[sflag:s14] =	ssyncset.done $0x0;
	s1 =	rddreg [dreg:$0x1d]  }
0x132: {  	s5 =	simm.s32 $0x13980;
	s19 =	sld [smem:$0x7F4];
	[sflag:s14] =	ssyncadd.s32 $0xFFFFDC00  }
0x133: {  	[tilespmem:s5], [sflag:$0x3] =	stream.linear.gather [hbm4b:s1+s4], $0x48, $0x38;
	[tilespmem:$0x1EF00] =	vst v63  }
0x134: {  	s12 =	simm.s32 $0x18300  }
0x135: {  	[hbm4b:s19+s4] =	stream.linear.scatter [tilespmem:s12], [sflag:$0xD], $0x2400, $0x38;
	[tilespmem:$0x1EF00] =	vst v63  }
0x136: {  	_ =	swait.ge [sflag:s7], $0x2400  }
0x137: {  	[sflag:s7] =	ssyncset.done $0x0  }
0x138: {  	[sflag:s7] =	ssyncadd.s32 $0xFFFFDC00  }
0x139: {  	_ =	swait.ge [sflag:s26], $0x48  }
0x13a: {  	[sflag:s26] =	ssyncset.done $0x0  }
0x13b: {  	[sflag:s26] =	ssyncadd.s32 $0xFFFFFFB8  }
0x13c: {  	[tilespmem:s28], [sflag:$0xA] =	stream.indirect.gather [spmem:s3], $0x80, s17, s16, $0xb8;
	[tilespmem:$0x1EF00] =	vst v63  }
0x13d: {  	_ =	swait.ge [sflag:s29], $0x2400  }
0x13e: {  	[sflag:s29] =	ssyncset.done $0x0;
	s22 =	rddreg [dreg:$0x1e]  }
0x13f: {  	s11 =	sld [smem:$0x7F5];
	[sflag:s29] =	ssyncadd.s32 $0xFFFFDC00  }
0x140: {  	[tilespmem:s8], [sflag:$0x4] =	stream.linear.gather [hbm4b:s22+s4], $0x40, $0x38;
	[tilespmem:$0x1EF00] =	vst v63  }
0x141: {  	_ = 	snop  }
0x142: {  	[hbm4b:s11+s4] =	stream.linear.scatter [tilespmem:s13], [sflag:$0xE], $0x2400, $0x38;
	[tilespmem:$0x1EF00] =	vst v63  }
0x143: {  	_ =	swait.ge [sflag:s30], $0x2400  }
0x144: {  	[sflag:s30] =	ssyncset.done $0x0  }
0x145: {  	[sflag:s30] =	ssyncadd.s32 $0xFFFFDC00  }
0x146: {  	_ =	swait.ge [sflag:s15], $0x48  }
0x147: {  	[sflag:s15] =	ssyncset.done $0x0  }
0x148: {  	s11 =	simm.s32 $0x13B00;
	[sflag:s15] =	ssyncadd.s32 $0xFFFFFFB8  }
0x149: {  	[tilespmem:s11], [sflag:$0x6] =	stream.indirect.gather [spmem:s3], $0x80, s10, s16, $0xb8;
	[tilespmem:$0x1EF00] =	vst v63  }
0x14a: {  	_ =	swait.ge [sflag:s31], $0x2400  }
0x14b: {  	s17 =	sld [smem:$0x7F6]  }
0x14c: {  	[sflag:s31] =	ssyncset.done $0x0  }
0x14d: {  	[sflag:s31] =	ssyncadd.s32 $0xFFFFDC00  }
0x14e: {  	[hbm4b:s17+s4] =	stream.linear.scatter [tilespmem:s28], [sflag:$0xF], $0x2400, $0x38;
	[tilespmem:$0x1EF00] =	vst v63  }
0x14f: {  	_ =	swait.ge [sflag:s0], $0x2400  }
0x150: {  	[sflag:s0] =	ssyncset.done $0x0  }
0x151: {  	[sflag:s0] =	ssyncadd.s32 $0xFFFFDC00  }
0x152: {  	_ =	swait.ge [sflag:s18], $0x48  }
0x153: {  	[sflag:s18] =	ssyncset.done $0x0  }
0x154: {  	s19 =	simm.s32 $0x15F00;
	[sflag:s18] =	ssyncadd.s32 $0xFFFFFFB8  }
0x155: {  	[tilespmem:s19], [sflag:$0x7] =	stream.indirect.gather [spmem:s3], $0x80, s9, s16, $0xb8;
	[tilespmem:$0x1EF00] =	vst v63  }
0x156: {  	_ =	swait.ge [sflag:s20], $0x2400  }
0x157: {  	s22 =	sld [smem:$0x7F7]  }
0x158: {  	[sflag:s20] =	ssyncset.done $0x0  }
0x159: {  	[sflag:s20] =	ssyncadd.s32 $0xFFFFDC00  }
0x15a: {  	[hbm4b:s22+s4] =	stream.linear.scatter [tilespmem:s11], [sflag:$0xB], $0x2400, $0x38;
	[tilespmem:$0x1EF00] =	vst v63  }
0x15b: {  	_ =	swait.ge [sflag:s2], $0x2400  }
0x15c: {  	[sflag:s2] =	ssyncset.done $0x0  }
0x15d: {  	[sflag:s2] =	ssyncadd.s32 $0xFFFFDC00  }
0x15e: {  	_ =	swait.ge [sflag:s21], $0x48  }
0x15f: {  	[sflag:s21] =	ssyncset.done $0x0  }
0x160: {  	[sflag:s21] =	ssyncadd.s32 $0xFFFFFFB8  }
0x161: {  	[tilespmem:s12], [sflag:$0x8] =	stream.indirect.gather [spmem:s3], $0x80, s5, s16, $0xb8;
	[tilespmem:$0x1EF00] =	vst v63  }
0x162: {  	_ =	swait.ge [sflag:s23], $0x2400  }
0x163: {  	s9 =	sld [smem:$0x7F8]  }
0x164: {  	[sflag:s23] =	ssyncset.done $0x0  }
0x165: {  	[sflag:s23] =	ssyncadd.s32 $0xFFFFDC00  }
0x166: {  	[hbm4b:s9+s4] =	stream.linear.scatter [tilespmem:s19], [sflag:$0xC], $0x2400, $0x38;
	[tilespmem:$0x1EF00] =	vst v63  }
0x167: {  	_ =	swait.ge [sflag:s6], $0x2400  }
0x168: {  	[sflag:s6] =	ssyncset.done $0x0  }
0x169: {  	[sflag:s6] =	ssyncadd.s32 $0xFFFFDC00  }
0x16a: {  	_ =	swait.ge [sflag:s24], $0x40  }
0x16b: {  	[sflag:s24] =	ssyncset.done $0x0  }
0x16c: {  	s10 =	simm.s32 $0x40;
	[sflag:s24] =	ssyncadd.s32 $0xFFFFFFC0  }
0x16d: {  	[tilespmem:s13], [sflag:$0x9] =	stream.indirect.gather [spmem:s3], $0x80, s8, s10, $0xb8;
	[tilespmem:$0x1EF00] =	vst v63  }
0x16e: {  	_ =	swait.ge [sflag:s14], $0x2400  }
0x16f: {  	[sflag:s14] =	ssyncset.done $0x0  }
0x170: {  	s11 =	rddreg [dreg:$0x11];
	[sflag:s14] =	ssyncadd.s32 $0xFFFFDC00  }
0x171: {  	[hbm4b:s11+s4] =	stream.linear.scatter [tilespmem:s12], [sflag:$0xD], $0x2400, $0x38;
	[tilespmem:$0x1EF00] =	vst v63  }
0x172: {  	_ =	swait.ge [sflag:s7], $0x2400  }
0x173: {  	[sflag:s7] =	ssyncset.done $0x0  }
0x174: {  	[sflag:s7] =	ssyncadd.s32 $0xFFFFDC00  }
0x175: {  	_ =	swait.ge [sflag:s29], $0x2000  }
0x176: {  	[sflag:s29] =	ssyncset.done $0x0  }
0x177: {  	s17 =	rddreg [dreg:$0x12];
	[sflag:s29] =	ssyncadd.s32 $0xFFFFE000  }
0x178: {  	[hbm4b:s17+s4] =	stream.linear.scatter [tilespmem:s13], [sflag:$0xE], $0x2000, $0x38;
	[tilespmem:$0x1EF00] =	vst v63  }
0x179: {  	_ =	swait.ge [sflag:s30], $0x2400  }
0x17a: {  	[sflag:s30] =	ssyncset.done $0x0  }
0x17b: {  	[sflag:s30] =	ssyncadd.s32 $0xFFFFDC00  }
0x17c: {  	_ =	swait.ge [sflag:s0], $0x2400  }
0x17d: {  	[sflag:s0] =	ssyncset.done $0x0  }
0x17e: {  	[sflag:s0] =	ssyncadd.s32 $0xFFFFDC00  }
0x17f: {  	_ =	swait.ge [sflag:s2], $0x2400  }
0x180: {  	[sflag:s2] =	ssyncset.done $0x0  }
0x181: {  	[sflag:s2] =	ssyncadd.s32 $0xFFFFDC00  }
0x182: {  	_ =	swait.ge [sflag:s6], $0x2000  }
0x183: {  	s19 =	sld [smem:$0x7F3]  }
0x184: {  	s22 =	sld [smem:$0x7F9];
	_ =	sdelay $0x1  }
0x185: {  	s5 =	sadd.s32 $0x1, s19  }
0x186: {  	p1 =	sne.s32 s5, s22  }
.Ltmp1:
0x187: {  	_ = 	snop;
	(pc) =	sbr.rel @p1 .LBB2_1-.Ltmp1, $3  }
0x188: {  	_ =	sdelay $0x1  }
0x189: {  	[sflag:s6] =	ssyncset.done $0x0  }
0x18a: {  	[sflag:s6] =	ssyncadd.s32 $0xFFFFE000  }
0x18b: {  	_ =	sfence.sel $0x180000  }
0x18c: {  	[bflag:$0x0] =	sbarrier.arrive $0xFFFF  }
0x18d: {  	_ =	strace $0x90000047  }
0x18e: {  	s0 =	stileid.u32;
	[bflag:$0x2] =	sbarrier.arrive $0xFFFF  }
0x18f: {  	p0 =	sne.s32 s0, $0x0;
	s0 =	rddreg [dreg:$0x4]  }
0x190: {  	s0 =	sadd.s32 @!p0 $0x100000, s0  }
0x191: {  	[sflag:s0] =	ssyncadd.tile.s32 @!p0 $0x1;
	_ =	shalt  }
.Lfunc_end2:
_tile_overlayer_lowered:
.L_overlay_start_2:
0x192: {  	(tag) =	ssettag $0x2  }
0x193: {  	s0 =	rddreg [dreg:$0x0];
	s2 =	stileid.u32  }
0x194: {  	s1 =	rddreg [dreg:$0x1];
	p0 =	sne.s32 s2, $0x0  }
0x195: {  	s3 =	rddreg [dreg:$0x2];
	[bflag:$0x3] =	sbarrier.arrive $0xFFFF;
	s2 =	simm.s32 @!p0 $0x1C11  }
0x196: {  	[timem:s3], [sflag:s2] =	dma.local @!p0 [hbm:s0], s1  }
0x197: {  	s0 =	simm.s32 @!p0 $0x11  }
0x198: {  	_ =	swait.ge @!p0 [sflag:s0], s1  }
0x199: {  	s1 =	ssub.s32 @!p0 $0x0, s1;
	[sflag:s0] =	ssyncset.done @!p0 $0x0  }
0x19a: {  	[sflag:s0] =	ssyncadd.s32 @!p0 s1  }
0x19b: {  	[bflag:$0x3] =	sbarrier.arrive $0xFFFF  }
0x19c: {  	_ =	shalt  }

</sc_bundles>
